<compile_context>
chip_gen: v7x
topology: tpu7x:2x2x1
jax: 0.10.2.dev20260603
libtpu: 0.0.44.dev20260713+nightly
codegen_flags: <defaults>
</compile_context>

<pallas_src>
import functools

import jax
import jax.numpy as jnp
from jax import lax
from jax.experimental import pallas as pl
from jax.experimental.pallas import tpu as pltpu
from jax.experimental.pallas import tpu_sc as plsc

VOCAB = 100000
EMBED = 64
B = 1024
CTX = 20

NC = 2
NS = 16
NW = NC * NS
B_PER_W = B // NW
IDX_PER_W = B_PER_W * CTX
IDX_CHUNK = 128
N_CHUNKS = IDX_PER_W // IDX_CHUNK

LANES = 16
EC = EMBED // LANES

V_TILE = 1024


def _gather_mean_sc(table, idx3):
    mesh = plsc.VectorSubcoreMesh(core_axis_name="c", subcore_axis_name="s")

    @functools.partial(
        pl.kernel,
        mesh=mesh,
        compiler_params=pltpu.CompilerParams(use_tc_tiling_on_sc=False),
        out_type=jax.ShapeDtypeStruct((B, EMBED), jnp.float32),
        scratch_types=[
            pltpu.VMEM((N_CHUNKS, IDX_CHUNK), jnp.int32),
            pltpu.VMEM((IDX_PER_W, EMBED), jnp.float32),
            pltpu.VMEM((B_PER_W, EMBED), jnp.float32),
            pltpu.SemaphoreType.DMA,
        ],
    )
    def k(table_hbm, idx_hbm, out_hbm, idx_v, rows_v, acc_v, sem):
        wid = lax.axis_index("s") * NC + lax.axis_index("c")
        pltpu.sync_copy(idx_hbm.at[wid], idx_v)
        copies = [
            pltpu.async_copy(
                table_hbm.at[idx_v.at[j]],
                rows_v.at[pl.ds(j * IDX_CHUNK, IDX_CHUNK)],
                sem,
            )
            for j in range(N_CHUNKS)
        ]
        for c in copies:
            c.wait()

        def body(b, carry):
            for c in range(EC):
                acc = jnp.zeros((LANES,), jnp.float32)
                for t in range(CTX):
                    acc = acc + rows_v[b * CTX + t, pl.ds(c * LANES, LANES)]
                acc_v[b, pl.ds(c * LANES, LANES)] = acc * (1.0 / CTX)
            return carry

        lax.fori_loop(0, B_PER_W, body, 0)
        pltpu.sync_copy(acc_v, out_hbm.at[pl.ds(wid * B_PER_W, B_PER_W)])

    return k(table, idx3)


def _project_tc(avg, lin_w, lin_b2):
    def mm(avg_ref, w_ref, b_ref, out_ref):
        out_ref[...] = lax.dot_general(
            avg_ref[...], w_ref[...],
            (((1,), (1,)), ((), ())),
            preferred_element_type=jnp.float32,
        ) + b_ref[...]

    return pl.pallas_call(
        mm,
        grid=(pl.cdiv(VOCAB, V_TILE),),
        in_specs=[
            pl.BlockSpec((B, EMBED), lambda j: (0, 0)),
            pl.BlockSpec((V_TILE, EMBED), lambda j: (j, 0)),
            pl.BlockSpec((1, V_TILE), lambda j: (0, j)),
        ],
        out_specs=pl.BlockSpec((B, V_TILE), lambda j: (0, j)),
        out_shape=jax.ShapeDtypeStruct((B, VOCAB), jnp.float32),
    )(avg, lin_w, lin_b2)


def kernel(inputs, emb_table, lin_w, lin_b):
    idx3 = inputs.astype(jnp.int32).reshape(NW, N_CHUNKS, IDX_CHUNK)
    avg = _gather_mean_sc(emb_table, idx3)
    return _project_tc(avg, lin_w, lin_b.reshape(1, VOCAB))

# --- scband reference (transcript-rebuilt; emitter-appended) ---
"""Pipeline reference for scband-cbowmodel-1194000908950 (READ-ONLY COPY).

The authoritative reference and input builder live on the scoring server;
editing this copy changes nothing except your own understanding.
"""

import jax, jax.numpy as jnp
import numpy as np

VOCAB = 100000
EMBED = 64
B = 1024
CTX = 20

def setup_inputs(seed: int = 0) -> dict:
    key = jax.random.key(seed)
    k1, k2, k3, k4 = jax.random.split(key, 4)
    inputs = jax.random.randint(k1, (B, CTX), 0, VOCAB, dtype=jnp.int64)
    emb_table = jax.random.normal(k2, (VOCAB, EMBED), dtype=jnp.float32) * 0.02
    lin_w = jax.random.normal(k3, (VOCAB, EMBED), dtype=jnp.float32) * 0.02  # torch Linear weight [out, in]
    lin_b = jax.random.normal(k4, (VOCAB,), dtype=jnp.float32) * 0.02
    return {"inputs": inputs, "emb_table": emb_table, "lin_w": lin_w, "lin_b": lin_b}

def reference(inputs, emb_table, lin_w, lin_b):
    # embeds = self.embeddings(inputs)  -> gather
    embeds = jnp.take(emb_table, inputs, axis=0)  # [B, CTX, EMBED]
    # avg_embeds = torch.mean(embeds, dim=1)
    avg_embeds = jnp.mean(embeds, axis=1)  # [B, EMBED]
    # output = self.linear(avg_embeds)
    output = avg_embeds @ lin_w.T + lin_b  # [B, VOCAB]
    return output

if __name__ == "__main__":
    import jax
    _d = setup_inputs()
    print(jax.jit(kernel)(*tuple(_d.values())))

</pallas_src>

<mosaic_0001>
#map = affine_map<(d0, d1) -> (0, 0)>
#map1 = affine_map<(d0, d1) -> (0, 0, 0)>
module attributes {stable_mosaic.version = 14 : i64} {
  func.func @k(%arg0: i32, %arg1: i32, %arg2: memref<100000x64xf32, #tpu.memory_space<hbm>>, %arg3: memref<32x5x128xi32, #tpu.memory_space<hbm>>, %arg4: memref<1024x64xf32, #tpu.memory_space<hbm>>, %arg5: memref<5x128xi32, #tpu.memory_space<vmem>>, %arg6: memref<640x64xf32, #tpu.memory_space<vmem>>, %arg7: memref<32x64xf32, #tpu.memory_space<vmem>>, %arg8: memref<!tpu.dma_semaphore, #tpu.memory_space<semaphore_mem>>) attributes {dimension_semantics = [#tpu.dimension_semantics<core_parallel>, #tpu.dimension_semantics<subcore_parallel>], iteration_bounds = array<i64: 2, 16>, scalar_prefetch = 0 : i64, scratch_operands = 4 : i64, tpu.core_type = #tpu.core_type<sc_vector_subcore>, window_params = [{transform_indices = #map}, {transform_indices = #map1}, {transform_indices = #map}]} {
    %mul3A = arith.constant 2 : i32
    %mul3A_0 = arith.muli %arg1, %mul3A : i32
    %add3A = arith.addi %mul3A_0, %arg0 : i32
    "tpu.region"() ({
      %run_scoped3A = tpu.sem_alloc : memref<!tpu.dma_semaphore, #tpu.memory_space<semaphore_mem>>
      %dma_start3A_106 = arith.constant 0 : i32
      %dma_start3A_107 = arith.constant 0 : i32
      %dma_start3A_108 = tpu.memref_slice %arg3[%add3A, %dma_start3A_106, %dma_start3A_107] : memref<32x5x128xi32, #tpu.memory_space<hbm>> -> memref<1x5x128xi32, #tpu.memory_space<hbm>>
      %dma_start3A_109 = tpu.memref_squeeze %dma_start3A_108 : memref<1x5x128xi32, #tpu.memory_space<hbm>> -> memref<5x128xi32, #tpu.memory_space<hbm>>
      %dma_start3A_110 = arith.constant 0 : i32
      %dma_start3A_111 = arith.constant 0 : i32
      %dma_start3A_112 = tpu.memref_slice %arg3[%add3A, %dma_start3A_110, %dma_start3A_111] : memref<32x5x128xi32, #tpu.memory_space<hbm>> -> memref<1x5x128xi32, #tpu.memory_space<hbm>>
      %dma_start3A_113 = tpu.memref_squeeze %dma_start3A_112 : memref<1x5x128xi32, #tpu.memory_space<hbm>> -> memref<5x128xi32, #tpu.memory_space<hbm>>
      tpu.enqueue_dma source(%dma_start3A_113 : memref<5x128xi32, #tpu.memory_space<hbm>>) target(%arg5 : memref<5x128xi32, #tpu.memory_space<vmem>>) target_semaphore(%run_scoped3A : memref<!tpu.dma_semaphore, #tpu.memory_space<semaphore_mem>>)
      %dma_wait3A_114 = arith.constant 0 : i32
      %dma_wait3A_115 = arith.constant 0 : i32
      %dma_wait3A_116 = tpu.memref_slice %arg3[%add3A, %dma_wait3A_114, %dma_wait3A_115] : memref<32x5x128xi32, #tpu.memory_space<hbm>> -> memref<1x5x128xi32, #tpu.memory_space<hbm>>
      %dma_wait3A_117 = tpu.memref_squeeze %dma_wait3A_116 : memref<1x5x128xi32, #tpu.memory_space<hbm>> -> memref<5x128xi32, #tpu.memory_space<hbm>>
      %dma_wait3A_118 = arith.constant 0 : i32
      %dma_wait3A_119 = arith.constant 0 : i32
      %dma_wait3A_120 = tpu.memref_slice %arg3[%add3A, %dma_wait3A_118, %dma_wait3A_119] : memref<32x5x128xi32, #tpu.memory_space<hbm>> -> memref<1x5x128xi32, #tpu.memory_space<hbm>>
      %dma_wait3A_121 = tpu.memref_squeeze %dma_wait3A_120 : memref<1x5x128xi32, #tpu.memory_space<hbm>> -> memref<5x128xi32, #tpu.memory_space<hbm>>
      tpu.wait_dma2 semaphore(%run_scoped3A : memref<!tpu.dma_semaphore, #tpu.memory_space<semaphore_mem>>) src(%dma_wait3A_121 : memref<5x128xi32, #tpu.memory_space<hbm>>) dst(%arg5 : memref<5x128xi32, #tpu.memory_space<vmem>>)
      tpu.yield
    }) : () -> ()
    %dma_start3A = arith.constant 0 : i32
    %dma_start3A_1 = arith.constant 0 : i32
    %dma_start3A_2 = arith.constant 0 : i32
    %dma_start3A_3 = tpu.memref_slice %arg6[%dma_start3A_1, %dma_start3A_2] : memref<640x64xf32, #tpu.memory_space<vmem>> -> memref<128x64xf32, #tpu.memory_space<vmem>>
    %dma_start3A_4 = arith.constant 0 : i32
    %dma_start3A_5 = tpu.memref_slice %arg5[%dma_start3A, %dma_start3A_4] : memref<5x128xi32, #tpu.memory_space<vmem>> -> memref<1x128xi32, #tpu.memory_space<vmem>>
    %dma_start3A_6 = tpu.memref_squeeze %dma_start3A_5 : memref<1x128xi32, #tpu.memory_space<vmem>> -> memref<128xi32, #tpu.memory_space<vmem>>
    %dma_start3A_7 = arith.constant 0 : i32
    %dma_start3A_8 = arith.constant 0 : i32
    %dma_start3A_9 = tpu.memref_slice %arg2[%dma_start3A_7, %dma_start3A_8] : memref<100000x64xf32, #tpu.memory_space<hbm>> -> memref<100000x64xf32, #tpu.memory_space<hbm>>
    tpu.enqueue_indirect_dma source(%dma_start3A_9 : memref<100000x64xf32, #tpu.memory_space<hbm>>) target(%dma_start3A_3 : memref<128x64xf32, #tpu.memory_space<vmem>>) offsets(%dma_start3A_6 : memref<128xi32, #tpu.memory_space<vmem>>) semaphore(%arg8 : memref<!tpu.dma_semaphore, #tpu.memory_space<semaphore_mem>>)
    %dma_start3A_10 = arith.constant 1 : i32
    %dma_start3A_11 = arith.constant 128 : i32
    %dma_start3A_12 = arith.constant 0 : i32
    %dma_start3A_13 = tpu.memref_slice %arg6[%dma_start3A_11, %dma_start3A_12] : memref<640x64xf32, #tpu.memory_space<vmem>> -> memref<128x64xf32, #tpu.memory_space<vmem>>
    %dma_start3A_14 = arith.constant 0 : i32
    %dma_start3A_15 = tpu.memref_slice %arg5[%dma_start3A_10, %dma_start3A_14] : memref<5x128xi32, #tpu.memory_space<vmem>> -> memref<1x128xi32, #tpu.memory_space<vmem>>
    %dma_start3A_16 = tpu.memref_squeeze %dma_start3A_15 : memref<1x128xi32, #tpu.memory_space<vmem>> -> memref<128xi32, #tpu.memory_space<vmem>>
    %dma_start3A_17 = arith.constant 0 : i32
    %dma_start3A_18 = arith.constant 0 : i32
    %dma_start3A_19 = tpu.memref_slice %arg2[%dma_start3A_17, %dma_start3A_18] : memref<100000x64xf32, #tpu.memory_space<hbm>> -> memref<100000x64xf32, #tpu.memory_space<hbm>>
    tpu.enqueue_indirect_dma source(%dma_start3A_19 : memref<100000x64xf32, #tpu.memory_space<hbm>>) target(%dma_start3A_13 : memref<128x64xf32, #tpu.memory_space<vmem>>) offsets(%dma_start3A_16 : memref<128xi32, #tpu.memory_space<vmem>>) semaphore(%arg8 : memref<!tpu.dma_semaphore, #tpu.memory_space<semaphore_mem>>)
    %dma_start3A_20 = arith.constant 2 : i32
    %dma_start3A_21 = arith.constant 256 : i32
    %dma_start3A_22 = arith.constant 0 : i32
    %dma_start3A_23 = tpu.memref_slice %arg6[%dma_start3A_21, %dma_start3A_22] : memref<640x64xf32, #tpu.memory_space<vmem>> -> memref<128x64xf32, #tpu.memory_space<vmem>>
    %dma_start3A_24 = arith.constant 0 : i32
    %dma_start3A_25 = tpu.memref_slice %arg5[%dma_start3A_20, %dma_start3A_24] : memref<5x128xi32, #tpu.memory_space<vmem>> -> memref<1x128xi32, #tpu.memory_space<vmem>>
    %dma_start3A_26 = tpu.memref_squeeze %dma_start3A_25 : memref<1x128xi32, #tpu.memory_space<vmem>> -> memref<128xi32, #tpu.memory_space<vmem>>
    %dma_start3A_27 = arith.constant 0 : i32
    %dma_start3A_28 = arith.constant 0 : i32
    %dma_start3A_29 = tpu.memref_slice %arg2[%dma_start3A_27, %dma_start3A_28] : memref<100000x64xf32, #tpu.memory_space<hbm>> -> memref<100000x64xf32, #tpu.memory_space<hbm>>
    tpu.enqueue_indirect_dma source(%dma_start3A_29 : memref<100000x64xf32, #tpu.memory_space<hbm>>) target(%dma_start3A_23 : memref<128x64xf32, #tpu.memory_space<vmem>>) offsets(%dma_start3A_26 : memref<128xi32, #tpu.memory_space<vmem>>) semaphore(%arg8 : memref<!tpu.dma_semaphore, #tpu.memory_space<semaphore_mem>>)
    %dma_start3A_30 = arith.constant 3 : i32
    %dma_start3A_31 = arith.constant 384 : i32
    %dma_start3A_32 = arith.constant 0 : i32
    %dma_start3A_33 = tpu.memref_slice %arg6[%dma_start3A_31, %dma_start3A_32] : memref<640x64xf32, #tpu.memory_space<vmem>> -> memref<128x64xf32, #tpu.memory_space<vmem>>
    %dma_start3A_34 = arith.constant 0 : i32
    %dma_start3A_35 = tpu.memref_slice %arg5[%dma_start3A_30, %dma_start3A_34] : memref<5x128xi32, #tpu.memory_space<vmem>> -> memref<1x128xi32, #tpu.memory_space<vmem>>
    %dma_start3A_36 = tpu.memref_squeeze %dma_start3A_35 : memref<1x128xi32, #tpu.memory_space<vmem>> -> memref<128xi32, #tpu.memory_space<vmem>>
    %dma_start3A_37 = arith.constant 0 : i32
    %dma_start3A_38 = arith.constant 0 : i32
    %dma_start3A_39 = tpu.memref_slice %arg2[%dma_start3A_37, %dma_start3A_38] : memref<100000x64xf32, #tpu.memory_space<hbm>> -> memref<100000x64xf32, #tpu.memory_space<hbm>>
    tpu.enqueue_indirect_dma source(%dma_start3A_39 : memref<100000x64xf32, #tpu.memory_space<hbm>>) target(%dma_start3A_33 : memref<128x64xf32, #tpu.memory_space<vmem>>) offsets(%dma_start3A_36 : memref<128xi32, #tpu.memory_space<vmem>>) semaphore(%arg8 : memref<!tpu.dma_semaphore, #tpu.memory_space<semaphore_mem>>)
    %dma_start3A_40 = arith.constant 4 : i32
    %dma_start3A_41 = arith.constant 512 : i32
    %dma_start3A_42 = arith.constant 0 : i32
    %dma_start3A_43 = tpu.memref_slice %arg6[%dma_start3A_41, %dma_start3A_42] : memref<640x64xf32, #tpu.memory_space<vmem>> -> memref<128x64xf32, #tpu.memory_space<vmem>>
    %dma_start3A_44 = arith.constant 0 : i32
    %dma_start3A_45 = tpu.memref_slice %arg5[%dma_start3A_40, %dma_start3A_44] : memref<5x128xi32, #tpu.memory_space<vmem>> -> memref<1x128xi32, #tpu.memory_space<vmem>>
    %dma_start3A_46 = tpu.memref_squeeze %dma_start3A_45 : memref<1x128xi32, #tpu.memory_space<vmem>> -> memref<128xi32, #tpu.memory_space<vmem>>
    %dma_start3A_47 = arith.constant 0 : i32
    %dma_start3A_48 = arith.constant 0 : i32
    %dma_start3A_49 = tpu.memref_slice %arg2[%dma_start3A_47, %dma_start3A_48] : memref<100000x64xf32, #tpu.memory_space<hbm>> -> memref<100000x64xf32, #tpu.memory_space<hbm>>
    tpu.enqueue_indirect_dma source(%dma_start3A_49 : memref<100000x64xf32, #tpu.memory_space<hbm>>) target(%dma_start3A_43 : memref<128x64xf32, #tpu.memory_space<vmem>>) offsets(%dma_start3A_46 : memref<128xi32, #tpu.memory_space<vmem>>) semaphore(%arg8 : memref<!tpu.dma_semaphore, #tpu.memory_space<semaphore_mem>>)
    %dma_wait3A = arith.constant 0 : i32
    %dma_wait3A_50 = arith.constant 0 : i32
    %dma_wait3A_51 = arith.constant 0 : i32
    %dma_wait3A_52 = tpu.memref_slice %arg6[%dma_wait3A_50, %dma_wait3A_51] : memref<640x64xf32, #tpu.memory_space<vmem>> -> memref<128x64xf32, #tpu.memory_space<vmem>>
    %dma_wait3A_53 = arith.constant 0 : i32
    %dma_wait3A_54 = tpu.memref_slice %arg5[%dma_wait3A, %dma_wait3A_53] : memref<5x128xi32, #tpu.memory_space<vmem>> -> memref<1x128xi32, #tpu.memory_space<vmem>>
    %dma_wait3A_55 = tpu.memref_squeeze %dma_wait3A_54 : memref<1x128xi32, #tpu.memory_space<vmem>> -> memref<128xi32, #tpu.memory_space<vmem>>
    %dma_wait3A_56 = arith.constant 0 : i32
    %dma_wait3A_57 = arith.constant 0 : i32
    %dma_wait3A_58 = tpu.memref_slice %arg2[%dma_wait3A_56, %dma_wait3A_57] : memref<100000x64xf32, #tpu.memory_space<hbm>> -> memref<100000x64xf32, #tpu.memory_space<hbm>>
    tpu.wait_indirect_dma semaphore(%arg8 : memref<!tpu.dma_semaphore, #tpu.memory_space<semaphore_mem>>) src(%dma_wait3A_58 : memref<100000x64xf32, #tpu.memory_space<hbm>>) dst(%dma_wait3A_52 : memref<128x64xf32, #tpu.memory_space<vmem>>)
    %dma_wait3A_59 = arith.constant 1 : i32
    %dma_wait3A_60 = arith.constant 128 : i32
    %dma_wait3A_61 = arith.constant 0 : i32
    %dma_wait3A_62 = tpu.memref_slice %arg6[%dma_wait3A_60, %dma_wait3A_61] : memref<640x64xf32, #tpu.memory_space<vmem>> -> memref<128x64xf32, #tpu.memory_space<vmem>>
    %dma_wait3A_63 = arith.constant 0 : i32
    %dma_wait3A_64 = tpu.memref_slice %arg5[%dma_wait3A_59, %dma_wait3A_63] : memref<5x128xi32, #tpu.memory_space<vmem>> -> memref<1x128xi32, #tpu.memory_space<vmem>>
    %dma_wait3A_65 = tpu.memref_squeeze %dma_wait3A_64 : memref<1x128xi32, #tpu.memory_space<vmem>> -> memref<128xi32, #tpu.memory_space<vmem>>
    %dma_wait3A_66 = arith.constant 0 : i32
    %dma_wait3A_67 = arith.constant 0 : i32
    %dma_wait3A_68 = tpu.memref_slice %arg2[%dma_wait3A_66, %dma_wait3A_67] : memref<100000x64xf32, #tpu.memory_space<hbm>> -> memref<100000x64xf32, #tpu.memory_space<hbm>>
    tpu.wait_indirect_dma semaphore(%arg8 : memref<!tpu.dma_semaphore, #tpu.memory_space<semaphore_mem>>) src(%dma_wait3A_68 : memref<100000x64xf32, #tpu.memory_space<hbm>>) dst(%dma_wait3A_62 : memref<128x64xf32, #tpu.memory_space<vmem>>)
    %dma_wait3A_69 = arith.constant 2 : i32
    %dma_wait3A_70 = arith.constant 256 : i32
    %dma_wait3A_71 = arith.constant 0 : i32
    %dma_wait3A_72 = tpu.memref_slice %arg6[%dma_wait3A_70, %dma_wait3A_71] : memref<640x64xf32, #tpu.memory_space<vmem>> -> memref<128x64xf32, #tpu.memory_space<vmem>>
    %dma_wait3A_73 = arith.constant 0 : i32
    %dma_wait3A_74 = tpu.memref_slice %arg5[%dma_wait3A_69, %dma_wait3A_73] : memref<5x128xi32, #tpu.memory_space<vmem>> -> memref<1x128xi32, #tpu.memory_space<vmem>>
    %dma_wait3A_75 = tpu.memref_squeeze %dma_wait3A_74 : memref<1x128xi32, #tpu.memory_space<vmem>> -> memref<128xi32, #tpu.memory_space<vmem>>
    %dma_wait3A_76 = arith.constant 0 : i32
    %dma_wait3A_77 = arith.constant 0 : i32
    %dma_wait3A_78 = tpu.memref_slice %arg2[%dma_wait3A_76, %dma_wait3A_77] : memref<100000x64xf32, #tpu.memory_space<hbm>> -> memref<100000x64xf32, #tpu.memory_space<hbm>>
    tpu.wait_indirect_dma semaphore(%arg8 : memref<!tpu.dma_semaphore, #tpu.memory_space<semaphore_mem>>) src(%dma_wait3A_78 : memref<100000x64xf32, #tpu.memory_space<hbm>>) dst(%dma_wait3A_72 : memref<128x64xf32, #tpu.memory_space<vmem>>)
    %dma_wait3A_79 = arith.constant 3 : i32
    %dma_wait3A_80 = arith.constant 384 : i32
    %dma_wait3A_81 = arith.constant 0 : i32
    %dma_wait3A_82 = tpu.memref_slice %arg6[%dma_wait3A_80, %dma_wait3A_81] : memref<640x64xf32, #tpu.memory_space<vmem>> -> memref<128x64xf32, #tpu.memory_space<vmem>>
    %dma_wait3A_83 = arith.constant 0 : i32
    %dma_wait3A_84 = tpu.memref_slice %arg5[%dma_wait3A_79, %dma_wait3A_83] : memref<5x128xi32, #tpu.memory_space<vmem>> -> memref<1x128xi32, #tpu.memory_space<vmem>>
    %dma_wait3A_85 = tpu.memref_squeeze %dma_wait3A_84 : memref<1x128xi32, #tpu.memory_space<vmem>> -> memref<128xi32, #tpu.memory_space<vmem>>
    %dma_wait3A_86 = arith.constant 0 : i32
    %dma_wait3A_87 = arith.constant 0 : i32
    %dma_wait3A_88 = tpu.memref_slice %arg2[%dma_wait3A_86, %dma_wait3A_87] : memref<100000x64xf32, #tpu.memory_space<hbm>> -> memref<100000x64xf32, #tpu.memory_space<hbm>>
    tpu.wait_indirect_dma semaphore(%arg8 : memref<!tpu.dma_semaphore, #tpu.memory_space<semaphore_mem>>) src(%dma_wait3A_88 : memref<100000x64xf32, #tpu.memory_space<hbm>>) dst(%dma_wait3A_82 : memref<128x64xf32, #tpu.memory_space<vmem>>)
    %dma_wait3A_89 = arith.constant 4 : i32
    %dma_wait3A_90 = arith.constant 512 : i32
    %dma_wait3A_91 = arith.constant 0 : i32
    %dma_wait3A_92 = tpu.memref_slice %arg6[%dma_wait3A_90, %dma_wait3A_91] : memref<640x64xf32, #tpu.memory_space<vmem>> -> memref<128x64xf32, #tpu.memory_space<vmem>>
    %dma_wait3A_93 = arith.constant 0 : i32
    %dma_wait3A_94 = tpu.memref_slice %arg5[%dma_wait3A_89, %dma_wait3A_93] : memref<5x128xi32, #tpu.memory_space<vmem>> -> memref<1x128xi32, #tpu.memory_space<vmem>>
    %dma_wait3A_95 = tpu.memref_squeeze %dma_wait3A_94 : memref<1x128xi32, #tpu.memory_space<vmem>> -> memref<128xi32, #tpu.memory_space<vmem>>
    %dma_wait3A_96 = arith.constant 0 : i32
    %dma_wait3A_97 = arith.constant 0 : i32
    %dma_wait3A_98 = tpu.memref_slice %arg2[%dma_wait3A_96, %dma_wait3A_97] : memref<100000x64xf32, #tpu.memory_space<hbm>> -> memref<100000x64xf32, #tpu.memory_space<hbm>>
    tpu.wait_indirect_dma semaphore(%arg8 : memref<!tpu.dma_semaphore, #tpu.memory_space<semaphore_mem>>) src(%dma_wait3A_98 : memref<100000x64xf32, #tpu.memory_space<hbm>>) dst(%dma_wait3A_92 : memref<128x64xf32, #tpu.memory_space<vmem>>)
    %scan3A = arith.constant 0 : i32
    %scan3A_99 = arith.constant 0 : i32
    %scan3A_100 = arith.constant 32 : i32
    %scan3A_101 = arith.addi %scan3A_99, %scan3A_100 : i32
    %scan3A_102 = arith.constant 1 : i32
    scf.for %scan3A_106 = %scan3A_99 to %scan3A_101 step %scan3A_102  : i32 {
      %broadcast_in_dim3A = arith.constant 0.000000e+00 : f32
      %broadcast_in_dim3A_107 = vector.broadcast %broadcast_in_dim3A : f32 to vector<16xf32>
      %mul3A_108 = arith.constant 20 : i32
      %mul3A_109 = arith.muli %scan3A_106, %mul3A_108 : i32
      %add3A_110 = arith.constant 0 : i32
      %add3A_111 = arith.addi %mul3A_109, %add3A_110 : i32
      %get3A = arith.index_cast %add3A_111 : i32 to index
      %get3A_112 = arith.constant 0 : index
      %get3A_113 = tpu.vector_load %arg6[%get3A, %get3A_112] {strides = array<i32>} : memref<640x64xf32, #tpu.memory_space<vmem>>, vector<1x16xf32>,
      %get3A_114 = vector.shape_cast %get3A_113 : vector<1x16xf32> to vector<16xf32>
      %add3A_115 = arith.addf %broadcast_in_dim3A_107, %get3A_114 : vector<16xf32>
      %mul3A_116 = arith.constant 20 : i32
      %mul3A_117 = arith.muli %scan3A_106, %mul3A_116 : i32
      %add3A_118 = arith.constant 1 : i32
      %add3A_119 = arith.addi %mul3A_117, %add3A_118 : i32
      %get3A_120 = arith.index_cast %add3A_119 : i32 to index
      %get3A_121 = arith.constant 0 : index
      %get3A_122 = tpu.vector_load %arg6[%get3A_120, %get3A_121] {strides = array<i32>} : memref<640x64xf32, #tpu.memory_space<vmem>>, vector<1x16xf32>,
      %get3A_123 = vector.shape_cast %get3A_122 : vector<1x16xf32> to vector<16xf32>
      %add3A_124 = arith.addf %add3A_115, %get3A_123 : vector<16xf32>
      %mul3A_125 = arith.constant 20 : i32
      %mul3A_126 = arith.muli %scan3A_106, %mul3A_125 : i32
      %add3A_127 = arith.constant 2 : i32
      %add3A_128 = arith.addi %mul3A_126, %add3A_127 : i32
      %get3A_129 = arith.index_cast %add3A_128 : i32 to index
      %get3A_130 = arith.constant 0 : index
      %get3A_131 = tpu.vector_load %arg6[%get3A_129, %get3A_130] {strides = array<i32>} : memref<640x64xf32, #tpu.memory_space<vmem>>, vector<1x16xf32>,
      %get3A_132 = vector.shape_cast %get3A_131 : vector<1x16xf32> to vector<16xf32>
      %add3A_133 = arith.addf %add3A_124, %get3A_132 : vector<16xf32>
      %mul3A_134 = arith.constant 20 : i32
      %mul3A_135 = arith.muli %scan3A_106, %mul3A_134 : i32
      %add3A_136 = arith.constant 3 : i32
      %add3A_137 = arith.addi %mul3A_135, %add3A_136 : i32
      %get3A_138 = arith.index_cast %add3A_137 : i32 to index
      %get3A_139 = arith.constant 0 : index
      %get3A_140 = tpu.vector_load %arg6[%get3A_138, %get3A_139] {strides = array<i32>} : memref<640x64xf32, #tpu.memory_space<vmem>>, vector<1x16xf32>,
      %get3A_141 = vector.shape_cast %get3A_140 : vector<1x16xf32> to vector<16xf32>
      %add3A_142 = arith.addf %add3A_133, %get3A_141 : vector<16xf32>
      %mul3A_143 = arith.constant 20 : i32
      %mul3A_144 = arith.muli %scan3A_106, %mul3A_143 : i32
      %add3A_145 = arith.constant 4 : i32
      %add3A_146 = arith.addi %mul3A_144, %add3A_145 : i32
      %get3A_147 = arith.index_cast %add3A_146 : i32 to index
      %get3A_148 = arith.constant 0 : index
      %get3A_149 = tpu.vector_load %arg6[%get3A_147, %get3A_148] {strides = array<i32>} : memref<640x64xf32, #tpu.memory_space<vmem>>, vector<1x16xf32>,
      %get3A_150 = vector.shape_cast %get3A_149 : vector<1x16xf32> to vector<16xf32>
      %add3A_151 = arith.addf %add3A_142, %get3A_150 : vector<16xf32>
      %mul3A_152 = arith.constant 20 : i32
      %mul3A_153 = arith.muli %scan3A_106, %mul3A_152 : i32
      %add3A_154 = arith.constant 5 : i32
      %add3A_155 = arith.addi %mul3A_153, %add3A_154 : i32
      %get3A_156 = arith.index_cast %add3A_155 : i32 to index
      %get3A_157 = arith.constant 0 : index
      %get3A_158 = tpu.vector_load %arg6[%get3A_156, %get3A_157] {strides = array<i32>} : memref<640x64xf32, #tpu.memory_space<vmem>>, vector<1x16xf32>,
      %get3A_159 = vector.shape_cast %get3A_158 : vector<1x16xf32> to vector<16xf32>
      %add3A_160 = arith.addf %add3A_151, %get3A_159 : vector<16xf32>
      %mul3A_161 = arith.constant 20 : i32
      %mul3A_162 = arith.muli %scan3A_106, %mul3A_161 : i32
      %add3A_163 = arith.constant 6 : i32
      %add3A_164 = arith.addi %mul3A_162, %add3A_163 : i32
      %get3A_165 = arith.index_cast %add3A_164 : i32 to index
      %get3A_166 = arith.constant 0 : index
      %get3A_167 = tpu.vector_load %arg6[%get3A_165, %get3A_166] {strides = array<i32>} : memref<640x64xf32, #tpu.memory_space<vmem>>, vector<1x16xf32>,
      %get3A_168 = vector.shape_cast %get3A_167 : vector<1x16xf32> to vector<16xf32>
      %add3A_169 = arith.addf %add3A_160, %get3A_168 : vector<16xf32>
      %mul3A_170 = arith.constant 20 : i32
      %mul3A_171 = arith.muli %scan3A_106, %mul3A_170 : i32
      %add3A_172 = arith.constant 7 : i32
      %add3A_173 = arith.addi %mul3A_171, %add3A_172 : i32
      %get3A_174 = arith.index_cast %add3A_173 : i32 to index
      %get3A_175 = arith.constant 0 : index
      %get3A_176 = tpu.vector_load %arg6[%get3A_174, %get3A_175] {strides = array<i32>} : memref<640x64xf32, #tpu.memory_space<vmem>>, vector<1x16xf32>,
      %get3A_177 = vector.shape_cast %get3A_176 : vector<1x16xf32> to vector<16xf32>
      %add3A_178 = arith.addf %add3A_169, %get3A_177 : vector<16xf32>
      %mul3A_179 = arith.constant 20 : i32
      %mul3A_180 = arith.muli %scan3A_106, %mul3A_179 : i32
      %add3A_181 = arith.constant 8 : i32
      %add3A_182 = arith.addi %mul3A_180, %add3A_181 : i32
      %get3A_183 = arith.index_cast %add3A_182 : i32 to index
      %get3A_184 = arith.constant 0 : index
      %get3A_185 = tpu.vector_load %arg6[%get3A_183, %get3A_184] {strides = array<i32>} : memref<640x64xf32, #tpu.memory_space<vmem>>, vector<1x16xf32>,
      %get3A_186 = vector.shape_cast %get3A_185 : vector<1x16xf32> to vector<16xf32>
      %add3A_187 = arith.addf %add3A_178, %get3A_186 : vector<16xf32>
      %mul3A_188 = arith.constant 20 : i32
      %mul3A_189 = arith.muli %scan3A_106, %mul3A_188 : i32
      %add3A_190 = arith.constant 9 : i32
      %add3A_191 = arith.addi %mul3A_189, %add3A_190 : i32
      %get3A_192 = arith.index_cast %add3A_191 : i32 to index
      %get3A_193 = arith.constant 0 : index
      %get3A_194 = tpu.vector_load %arg6[%get3A_192, %get3A_193] {strides = array<i32>} : memref<640x64xf32, #tpu.memory_space<vmem>>, vector<1x16xf32>,
      %get3A_195 = vector.shape_cast %get3A_194 : vector<1x16xf32> to vector<16xf32>
      %add3A_196 = arith.addf %add3A_187, %get3A_195 : vector<16xf32>
      %mul3A_197 = arith.constant 20 : i32
      %mul3A_198 = arith.muli %scan3A_106, %mul3A_197 : i32
      %add3A_199 = arith.constant 10 : i32
      %add3A_200 = arith.addi %mul3A_198, %add3A_199 : i32
      %get3A_201 = arith.index_cast %add3A_200 : i32 to index
      %get3A_202 = arith.constant 0 : index
      %get3A_203 = tpu.vector_load %arg6[%get3A_201, %get3A_202] {strides = array<i32>} : memref<640x64xf32, #tpu.memory_space<vmem>>, vector<1x16xf32>,
      %get3A_204 = vector.shape_cast %get3A_203 : vector<1x16xf32> to vector<16xf32>
      %add3A_205 = arith.addf %add3A_196, %get3A_204 : vector<16xf32>
      %mul3A_206 = arith.constant 20 : i32
      %mul3A_207 = arith.muli %scan3A_106, %mul3A_206 : i32
      %add3A_208 = arith.constant 11 : i32
      %add3A_209 = arith.addi %mul3A_207, %add3A_208 : i32
      %get3A_210 = arith.index_cast %add3A_209 : i32 to index
      %get3A_211 = arith.constant 0 : index
      %get3A_212 = tpu.vector_load %arg6[%get3A_210, %get3A_211] {strides = array<i32>} : memref<640x64xf32, #tpu.memory_space<vmem>>, vector<1x16xf32>,
      %get3A_213 = vector.shape_cast %get3A_212 : vector<1x16xf32> to vector<16xf32>
      %add3A_214 = arith.addf %add3A_205, %get3A_213 : vector<16xf32>
      %mul3A_215 = arith.constant 20 : i32
      %mul3A_216 = arith.muli %scan3A_106, %mul3A_215 : i32
      %add3A_217 = arith.constant 12 : i32
      %add3A_218 = arith.addi %mul3A_216, %add3A_217 : i32
      %get3A_219 = arith.index_cast %add3A_218 : i32 to index
      %get3A_220 = arith.constant 0 : index
      %get3A_221 = tpu.vector_load %arg6[%get3A_219, %get3A_220] {strides = array<i32>} : memref<640x64xf32, #tpu.memory_space<vmem>>, vector<1x16xf32>,
      %get3A_222 = vector.shape_cast %get3A_221 : vector<1x16xf32> to vector<16xf32>
      %add3A_223 = arith.addf %add3A_214, %get3A_222 : vector<16xf32>
      %mul3A_224 = arith.constant 20 : i32
      %mul3A_225 = arith.muli %scan3A_106, %mul3A_224 : i32
      %add3A_226 = arith.constant 13 : i32
      %add3A_227 = arith.addi %mul3A_225, %add3A_226 : i32
      %get3A_228 = arith.index_cast %add3A_227 : i32 to index
      %get3A_229 = arith.constant 0 : index
      %get3A_230 = tpu.vector_load %arg6[%get3A_228, %get3A_229] {strides = array<i32>} : memref<640x64xf32, #tpu.memory_space<vmem>>, vector<1x16xf32>,
      %get3A_231 = vector.shape_cast %get3A_230 : vector<1x16xf32> to vector<16xf32>
      %add3A_232 = arith.addf %add3A_223, %get3A_231 : vector<16xf32>
      %mul3A_233 = arith.constant 20 : i32
      %mul3A_234 = arith.muli %scan3A_106, %mul3A_233 : i32
      %add3A_235 = arith.constant 14 : i32
      %add3A_236 = arith.addi %mul3A_234, %add3A_235 : i32
      %get3A_237 = arith.index_cast %add3A_236 : i32 to index
      %get3A_238 = arith.constant 0 : index
      %get3A_239 = tpu.vector_load %arg6[%get3A_237, %get3A_238] {strides = array<i32>} : memref<640x64xf32, #tpu.memory_space<vmem>>, vector<1x16xf32>,
      %get3A_240 = vector.shape_cast %get3A_239 : vector<1x16xf32> to vector<16xf32>
      %add3A_241 = arith.addf %add3A_232, %get3A_240 : vector<16xf32>
      %mul3A_242 = arith.constant 20 : i32
      %mul3A_243 = arith.muli %scan3A_106, %mul3A_242 : i32
      %add3A_244 = arith.constant 15 : i32
      %add3A_245 = arith.addi %mul3A_243, %add3A_244 : i32
      %get3A_246 = arith.index_cast %add3A_245 : i32 to index
      %get3A_247 = arith.constant 0 : index
      %get3A_248 = tpu.vector_load %arg6[%get3A_246, %get3A_247] {strides = array<i32>} : memref<640x64xf32, #tpu.memory_space<vmem>>, vector<1x16xf32>,
      %get3A_249 = vector.shape_cast %get3A_248 : vector<1x16xf32> to vector<16xf32>
      %add3A_250 = arith.addf %add3A_241, %get3A_249 : vector<16xf32>
      %mul3A_251 = arith.constant 20 : i32
      %mul3A_252 = arith.muli %scan3A_106, %mul3A_251 : i32
      %add3A_253 = arith.constant 16 : i32
      %add3A_254 = arith.addi %mul3A_252, %add3A_253 : i32
      %get3A_255 = arith.index_cast %add3A_254 : i32 to index
      %get3A_256 = arith.constant 0 : index
      %get3A_257 = tpu.vector_load %arg6[%get3A_255, %get3A_256] {strides = array<i32>} : memref<640x64xf32, #tpu.memory_space<vmem>>, vector<1x16xf32>,
      %get3A_258 = vector.shape_cast %get3A_257 : vector<1x16xf32> to vector<16xf32>
      %add3A_259 = arith.addf %add3A_250, %get3A_258 : vector<16xf32>
      %mul3A_260 = arith.constant 20 : i32
      %mul3A_261 = arith.muli %scan3A_106, %mul3A_260 : i32
      %add3A_262 = arith.constant 17 : i32
      %add3A_263 = arith.addi %mul3A_261, %add3A_262 : i32
      %get3A_264 = arith.index_cast %add3A_263 : i32 to index
      %get3A_265 = arith.constant 0 : index
      %get3A_266 = tpu.vector_load %arg6[%get3A_264, %get3A_265] {strides = array<i32>} : memref<640x64xf32, #tpu.memory_space<vmem>>, vector<1x16xf32>,
      %get3A_267 = vector.shape_cast %get3A_266 : vector<1x16xf32> to vector<16xf32>
      %add3A_268 = arith.addf %add3A_259, %get3A_267 : vector<16xf32>
      %mul3A_269 = arith.constant 20 : i32
      %mul3A_270 = arith.muli %scan3A_106, %mul3A_269 : i32
      %add3A_271 = arith.constant 18 : i32
      %add3A_272 = arith.addi %mul3A_270, %add3A_271 : i32
      %get3A_273 = arith.index_cast %add3A_272 : i32 to index
      %get3A_274 = arith.constant 0 : index
      %get3A_275 = tpu.vector_load %arg6[%get3A_273, %get3A_274] {strides = array<i32>} : memref<640x64xf32, #tpu.memory_space<vmem>>, vector<1x16xf32>,
      %get3A_276 = vector.shape_cast %get3A_275 : vector<1x16xf32> to vector<16xf32>
      %add3A_277 = arith.addf %add3A_268, %get3A_276 : vector<16xf32>
      %mul3A_278 = arith.constant 20 : i32
      %mul3A_279 = arith.muli %scan3A_106, %mul3A_278 : i32
      %add3A_280 = arith.constant 19 : i32
      %add3A_281 = arith.addi %mul3A_279, %add3A_280 : i32
      %get3A_282 = arith.index_cast %add3A_281 : i32 to index
      %get3A_283 = arith.constant 0 : index
      %get3A_284 = tpu.vector_load %arg6[%get3A_282, %get3A_283] {strides = array<i32>} : memref<640x64xf32, #tpu.memory_space<vmem>>, vector<1x16xf32>,
      %get3A_285 = vector.shape_cast %get3A_284 : vector<1x16xf32> to vector<16xf32>
      %add3A_286 = arith.addf %add3A_277, %get3A_285 : vector<16xf32>
      %mul3A_287 = arith.constant 5.000000e-02 : f32
      %mul3A_288 = vector.broadcast %mul3A_287 : f32 to vector<16xf32>
      %mul3A_289 = arith.mulf %add3A_286, %mul3A_288 : vector<16xf32>
      %swap3A = arith.index_cast %scan3A_106 : i32 to index
      %swap3A_290 = arith.constant 0 : index
      %swap3A_291 = tpu.vector_load %arg7[%swap3A, %swap3A_290] {strides = array<i32>} : memref<32x64xf32, #tpu.memory_space<vmem>>, vector<1x16xf32>,
      %swap3A_292 = vector.shape_cast %swap3A_291 : vector<1x16xf32> to vector<16xf32>
      %swap3A_293 = vector.shape_cast %mul3A_289 : vector<16xf32> to vector<1x16xf32>
      tpu.vector_store %arg7[%swap3A, %swap3A_290], %swap3A_293 {strides = array<i32>} : memref<32x64xf32, #tpu.memory_space<vmem>>, vector<1x16xf32>,
      %broadcast_in_dim3A_294 = arith.constant 0.000000e+00 : f32
      %broadcast_in_dim3A_295 = vector.broadcast %broadcast_in_dim3A_294 : f32 to vector<16xf32>
      %mul3A_296 = arith.constant 20 : i32
      %mul3A_297 = arith.muli %scan3A_106, %mul3A_296 : i32
      %add3A_298 = arith.constant 0 : i32
      %add3A_299 = arith.addi %mul3A_297, %add3A_298 : i32
      %get3A_300 = arith.index_cast %add3A_299 : i32 to index
      %get3A_301 = arith.constant 16 : index
      %get3A_302 = tpu.vector_load %arg6[%get3A_300, %get3A_301] {strides = array<i32>} : memref<640x64xf32, #tpu.memory_space<vmem>>, vector<1x16xf32>,
      %get3A_303 = vector.shape_cast %get3A_302 : vector<1x16xf32> to vector<16xf32>
      %add3A_304 = arith.addf %broadcast_in_dim3A_295, %get3A_303 : vector<16xf32>
      %mul3A_305 = arith.constant 20 : i32
      %mul3A_306 = arith.muli %scan3A_106, %mul3A_305 : i32
      %add3A_307 = arith.constant 1 : i32
      %add3A_308 = arith.addi %mul3A_306, %add3A_307 : i32
      %get3A_309 = arith.index_cast %add3A_308 : i32 to index
      %get3A_310 = arith.constant 16 : index
      %get3A_311 = tpu.vector_load %arg6[%get3A_309, %get3A_310] {strides = array<i32>} : memref<640x64xf32, #tpu.memory_space<vmem>>, vector<1x16xf32>,
      %get3A_312 = vector.shape_cast %get3A_311 : vector<1x16xf32> to vector<16xf32>
      %add3A_313 = arith.addf %add3A_304, %get3A_312 : vector<16xf32>
      %mul3A_314 = arith.constant 20 : i32
      %mul3A_315 = arith.muli %scan3A_106, %mul3A_314 : i32
      %add3A_316 = arith.constant 2 : i32
      %add3A_317 = arith.addi %mul3A_315, %add3A_316 : i32
      %get3A_318 = arith.index_cast %add3A_317 : i32 to index
      %get3A_319 = arith.constant 16 : index
      %get3A_320 = tpu.vector_load %arg6[%get3A_318, %get3A_319] {strides = array<i32>} : memref<640x64xf32, #tpu.memory_space<vmem>>, vector<1x16xf32>,
      %get3A_321 = vector.shape_cast %get3A_320 : vector<1x16xf32> to vector<16xf32>
      %add3A_322 = arith.addf %add3A_313, %get3A_321 : vector<16xf32>
      %mul3A_323 = arith.constant 20 : i32
      %mul3A_324 = arith.muli %scan3A_106, %mul3A_323 : i32
      %add3A_325 = arith.constant 3 : i32
      %add3A_326 = arith.addi %mul3A_324, %add3A_325 : i32
      %get3A_327 = arith.index_cast %add3A_326 : i32 to index
      %get3A_328 = arith.constant 16 : index
      %get3A_329 = tpu.vector_load %arg6[%get3A_327, %get3A_328] {strides = array<i32>} : memref<640x64xf32, #tpu.memory_space<vmem>>, vector<1x16xf32>,
      %get3A_330 = vector.shape_cast %get3A_329 : vector<1x16xf32> to vector<16xf32>
      %add3A_331 = arith.addf %add3A_322, %get3A_330 : vector<16xf32>
      %mul3A_332 = arith.constant 20 : i32
      %mul3A_333 = arith.muli %scan3A_106, %mul3A_332 : i32
      %add3A_334 = arith.constant 4 : i32
      %add3A_335 = arith.addi %mul3A_333, %add3A_334 : i32
      %get3A_336 = arith.index_cast %add3A_335 : i32 to index
      %get3A_337 = arith.constant 16 : index
      %get3A_338 = tpu.vector_load %arg6[%get3A_336, %get3A_337] {strides = array<i32>} : memref<640x64xf32, #tpu.memory_space<vmem>>, vector<1x16xf32>,
      %get3A_339 = vector.shape_cast %get3A_338 : vector<1x16xf32> to vector<16xf32>
      %add3A_340 = arith.addf %add3A_331, %get3A_339 : vector<16xf32>
      %mul3A_341 = arith.constant 20 : i32
      %mul3A_342 = arith.muli %scan3A_106, %mul3A_341 : i32
      %add3A_343 = arith.constant 5 : i32
      %add3A_344 = arith.addi %mul3A_342, %add3A_343 : i32
      %get3A_345 = arith.index_cast %add3A_344 : i32 to index
      %get3A_346 = arith.constant 16 : index
      %get3A_347 = tpu.vector_load %arg6[%get3A_345, %get3A_346] {strides = array<i32>} : memref<640x64xf32, #tpu.memory_space<vmem>>, vector<1x16xf32>,
      %get3A_348 = vector.shape_cast %get3A_347 : vector<1x16xf32> to vector<16xf32>
      %add3A_349 = arith.addf %add3A_340, %get3A_348 : vector<16xf32>
      %mul3A_350 = arith.constant 20 : i32
      %mul3A_351 = arith.muli %scan3A_106, %mul3A_350 : i32
      %add3A_352 = arith.constant 6 : i32
      %add3A_353 = arith.addi %mul3A_351, %add3A_352 : i32
      %get3A_354 = arith.index_cast %add3A_353 : i32 to index
      %get3A_355 = arith.constant 16 : index
      %get3A_356 = tpu.vector_load %arg6[%get3A_354, %get3A_355] {strides = array<i32>} : memref<640x64xf32, #tpu.memory_space<vmem>>, vector<1x16xf32>,
      %get3A_357 = vector.shape_cast %get3A_356 : vector<1x16xf32> to vector<16xf32>
      %add3A_358 = arith.addf %add3A_349, %get3A_357 : vector<16xf32>
      %mul3A_359 = arith.constant 20 : i32
      %mul3A_360 = arith.muli %scan3A_106, %mul3A_359 : i32
      %add3A_361 = arith.constant 7 : i32
      %add3A_362 = arith.addi %mul3A_360, %add3A_361 : i32
      %get3A_363 = arith.index_cast %add3A_362 : i32 to index
      %get3A_364 = arith.constant 16 : index
      %get3A_365 = tpu.vector_load %arg6[%get3A_363, %get3A_364] {strides = array<i32>} : memref<640x64xf32, #tpu.memory_space<vmem>>, vector<1x16xf32>,
      %get3A_366 = vector.shape_cast %get3A_365 : vector<1x16xf32> to vector<16xf32>
      %add3A_367 = arith.addf %add3A_358, %get3A_366 : vector<16xf32>
      %mul3A_368 = arith.constant 20 : i32
      %mul3A_369 = arith.muli %scan3A_106, %mul3A_368 : i32
      %add3A_370 = arith.constant 8 : i32
      %add3A_371 = arith.addi %mul3A_369, %add3A_370 : i32
      %get3A_372 = arith.index_cast %add3A_371 : i32 to index
      %get3A_373 = arith.constant 16 : index
      %get3A_374 = tpu.vector_load %arg6[%get3A_372, %get3A_373] {strides = array<i32>} : memref<640x64xf32, #tpu.memory_space<vmem>>, vector<1x16xf32>,
      %get3A_375 = vector.shape_cast %get3A_374 : vector<1x16xf32> to vector<16xf32>
      %add3A_376 = arith.addf %add3A_367, %get3A_375 : vector<16xf32>
      %mul3A_377 = arith.constant 20 : i32
      %mul3A_378 = arith.muli %scan3A_106, %mul3A_377 : i32
      %add3A_379 = arith.constant 9 : i32
      %add3A_380 = arith.addi %mul3A_378, %add3A_379 : i32
      %get3A_381 = arith.index_cast %add3A_380 : i32 to index
      %get3A_382 = arith.constant 16 : index
      %get3A_383 = tpu.vector_load %arg6[%get3A_381, %get3A_382] {strides = array<i32>} : memref<640x64xf32, #tpu.memory_space<vmem>>, vector<1x16xf32>,
      %get3A_384 = vector.shape_cast %get3A_383 : vector<1x16xf32> to vector<16xf32>
      %add3A_385 = arith.addf %add3A_376, %get3A_384 : vector<16xf32>
      %mul3A_386 = arith.constant 20 : i32
      %mul3A_387 = arith.muli %scan3A_106, %mul3A_386 : i32
      %add3A_388 = arith.constant 10 : i32
      %add3A_389 = arith.addi %mul3A_387, %add3A_388 : i32
      %get3A_390 = arith.index_cast %add3A_389 : i32 to index
      %get3A_391 = arith.constant 16 : index
      %get3A_392 = tpu.vector_load %arg6[%get3A_390, %get3A_391] {strides = array<i32>} : memref<640x64xf32, #tpu.memory_space<vmem>>, vector<1x16xf32>,
      %get3A_393 = vector.shape_cast %get3A_392 : vector<1x16xf32> to vector<16xf32>
      %add3A_394 = arith.addf %add3A_385, %get3A_393 : vector<16xf32>
      %mul3A_395 = arith.constant 20 : i32
      %mul3A_396 = arith.muli %scan3A_106, %mul3A_395 : i32
      %add3A_397 = arith.constant 11 : i32
      %add3A_398 = arith.addi %mul3A_396, %add3A_397 : i32
      %get3A_399 = arith.index_cast %add3A_398 : i32 to index
      %get3A_400 = arith.constant 16 : index
      %get3A_401 = tpu.vector_load %arg6[%get3A_399, %get3A_400] {strides = array<i32>} : memref<640x64xf32, #tpu.memory_space<vmem>>, vector<1x16xf32>,
      %get3A_402 = vector.shape_cast %get3A_401 : vector<1x16xf32> to vector<16xf32>
      %add3A_403 = arith.addf %add3A_394, %get3A_402 : vector<16xf32>
      %mul3A_404 = arith.constant 20 : i32
      %mul3A_405 = arith.muli %scan3A_106, %mul3A_404 : i32
      %add3A_406 = arith.constant 12 : i32
      %add3A_407 = arith.addi %mul3A_405, %add3A_406 : i32
      %get3A_408 = arith.index_cast %add3A_407 : i32 to index
      %get3A_409 = arith.constant 16 : index
      %get3A_410 = tpu.vector_load %arg6[%get3A_408, %get3A_409] {strides = array<i32>} : memref<640x64xf32, #tpu.memory_space<vmem>>, vector<1x16xf32>,
      %get3A_411 = vector.shape_cast %get3A_410 : vector<1x16xf32> to vector<16xf32>
      %add3A_412 = arith.addf %add3A_403, %get3A_411 : vector<16xf32>
      %mul3A_413 = arith.constant 20 : i32
      %mul3A_414 = arith.muli %scan3A_106, %mul3A_413 : i32
      %add3A_415 = arith.constant 13 : i32
      %add3A_416 = arith.addi %mul3A_414, %add3A_415 : i32
      %get3A_417 = arith.index_cast %add3A_416 : i32 to index
      %get3A_418 = arith.constant 16 : index
      %get3A_419 = tpu.vector_load %arg6[%get3A_417, %get3A_418] {strides = array<i32>} : memref<640x64xf32, #tpu.memory_space<vmem>>, vector<1x16xf32>,
      %get3A_420 = vector.shape_cast %get3A_419 : vector<1x16xf32> to vector<16xf32>
      %add3A_421 = arith.addf %add3A_412, %get3A_420 : vector<16xf32>
      %mul3A_422 = arith.constant 20 : i32
      %mul3A_423 = arith.muli %scan3A_106, %mul3A_422 : i32
      %add3A_424 = arith.constant 14 : i32
      %add3A_425 = arith.addi %mul3A_423, %add3A_424 : i32
      %get3A_426 = arith.index_cast %add3A_425 : i32 to index
      %get3A_427 = arith.constant 16 : index
      %get3A_428 = tpu.vector_load %arg6[%get3A_426, %get3A_427] {strides = array<i32>} : memref<640x64xf32, #tpu.memory_space<vmem>>, vector<1x16xf32>,
      %get3A_429 = vector.shape_cast %get3A_428 : vector<1x16xf32> to vector<16xf32>
      %add3A_430 = arith.addf %add3A_421, %get3A_429 : vector<16xf32>
      %mul3A_431 = arith.constant 20 : i32
      %mul3A_432 = arith.muli %scan3A_106, %mul3A_431 : i32
      %add3A_433 = arith.constant 15 : i32
      %add3A_434 = arith.addi %mul3A_432, %add3A_433 : i32
      %get3A_435 = arith.index_cast %add3A_434 : i32 to index
      %get3A_436 = arith.constant 16 : index
      %get3A_437 = tpu.vector_load %arg6[%get3A_435, %get3A_436] {strides = array<i32>} : memref<640x64xf32, #tpu.memory_space<vmem>>, vector<1x16xf32>,
      %get3A_438 = vector.shape_cast %get3A_437 : vector<1x16xf32> to vector<16xf32>
      %add3A_439 = arith.addf %add3A_430, %get3A_438 : vector<16xf32>
      %mul3A_440 = arith.constant 20 : i32
      %mul3A_441 = arith.muli %scan3A_106, %mul3A_440 : i32
      %add3A_442 = arith.constant 16 : i32
      %add3A_443 = arith.addi %mul3A_441, %add3A_442 : i32
      %get3A_444 = arith.index_cast %add3A_443 : i32 to index
      %get3A_445 = arith.constant 16 : index
      %get3A_446 = tpu.vector_load %arg6[%get3A_444, %get3A_445] {strides = array<i32>} : memref<640x64xf32, #tpu.memory_space<vmem>>, vector<1x16xf32>,
      %get3A_447 = vector.shape_cast %get3A_446 : vector<1x16xf32> to vector<16xf32>
      %add3A_448 = arith.addf %add3A_439, %get3A_447 : vector<16xf32>
      %mul3A_449 = arith.constant 20 : i32
      %mul3A_450 = arith.muli %scan3A_106, %mul3A_449 : i32
      %add3A_451 = arith.constant 17 : i32
      %add3A_452 = arith.addi %mul3A_450, %add3A_451 : i32
      %get3A_453 = arith.index_cast %add3A_452 : i32 to index
      %get3A_454 = arith.constant 16 : index
      %get3A_455 = tpu.vector_load %arg6[%get3A_453, %get3A_454] {strides = array<i32>} : memref<640x64xf32, #tpu.memory_space<vmem>>, vector<1x16xf32>,
      %get3A_456 = vector.shape_cast %get3A_455 : vector<1x16xf32> to vector<16xf32>
      %add3A_457 = arith.addf %add3A_448, %get3A_456 : vector<16xf32>
      %mul3A_458 = arith.constant 20 : i32
      %mul3A_459 = arith.muli %scan3A_106, %mul3A_458 : i32
      %add3A_460 = arith.constant 18 : i32
      %add3A_461 = arith.addi %mul3A_459, %add3A_460 : i32
      %get3A_462 = arith.index_cast %add3A_461 : i32 to index
      %get3A_463 = arith.constant 16 : index
      %get3A_464 = tpu.vector_load %arg6[%get3A_462, %get3A_463] {strides = array<i32>} : memref<640x64xf32, #tpu.memory_space<vmem>>, vector<1x16xf32>,
      %get3A_465 = vector.shape_cast %get3A_464 : vector<1x16xf32> to vector<16xf32>
      %add3A_466 = arith.addf %add3A_457, %get3A_465 : vector<16xf32>
      %mul3A_467 = arith.constant 20 : i32
      %mul3A_468 = arith.muli %scan3A_106, %mul3A_467 : i32
      %add3A_469 = arith.constant 19 : i32
      %add3A_470 = arith.addi %mul3A_468, %add3A_469 : i32
      %get3A_471 = arith.index_cast %add3A_470 : i32 to index
      %get3A_472 = arith.constant 16 : index
      %get3A_473 = tpu.vector_load %arg6[%get3A_471, %get3A_472] {strides = array<i32>} : memref<640x64xf32, #tpu.memory_space<vmem>>, vector<1x16xf32>,
      %get3A_474 = vector.shape_cast %get3A_473 : vector<1x16xf32> to vector<16xf32>
      %add3A_475 = arith.addf %add3A_466, %get3A_474 : vector<16xf32>
      %mul3A_476 = arith.constant 5.000000e-02 : f32
      %mul3A_477 = vector.broadcast %mul3A_476 : f32 to vector<16xf32>
      %mul3A_478 = arith.mulf %add3A_475, %mul3A_477 : vector<16xf32>
      %swap3A_479 = arith.index_cast %scan3A_106 : i32 to index
      %swap3A_480 = arith.constant 16 : index
      %swap3A_481 = tpu.vector_load %arg7[%swap3A_479, %swap3A_480] {strides = array<i32>} : memref<32x64xf32, #tpu.memory_space<vmem>>, vector<1x16xf32>,
      %swap3A_482 = vector.shape_cast %swap3A_481 : vector<1x16xf32> to vector<16xf32>
      %swap3A_483 = vector.shape_cast %mul3A_478 : vector<16xf32> to vector<1x16xf32>
      tpu.vector_store %arg7[%swap3A_479, %swap3A_480], %swap3A_483 {strides = array<i32>} : memref<32x64xf32, #tpu.memory_space<vmem>>, vector<1x16xf32>,
      %broadcast_in_dim3A_484 = arith.constant 0.000000e+00 : f32
      %broadcast_in_dim3A_485 = vector.broadcast %broadcast_in_dim3A_484 : f32 to vector<16xf32>
      %mul3A_486 = arith.constant 20 : i32
      %mul3A_487 = arith.muli %scan3A_106, %mul3A_486 : i32
      %add3A_488 = arith.constant 0 : i32
      %add3A_489 = arith.addi %mul3A_487, %add3A_488 : i32
      %get3A_490 = arith.index_cast %add3A_489 : i32 to index
      %get3A_491 = arith.constant 32 : index
      %get3A_492 = tpu.vector_load %arg6[%get3A_490, %get3A_491] {strides = array<i32>} : memref<640x64xf32, #tpu.memory_space<vmem>>, vector<1x16xf32>,
      %get3A_493 = vector.shape_cast %get3A_492 : vector<1x16xf32> to vector<16xf32>
      %add3A_494 = arith.addf %broadcast_in_dim3A_485, %get3A_493 : vector<16xf32>
      %mul3A_495 = arith.constant 20 : i32
      %mul3A_496 = arith.muli %scan3A_106, %mul3A_495 : i32
      %add3A_497 = arith.constant 1 : i32
      %add3A_498 = arith.addi %mul3A_496, %add3A_497 : i32
      %get3A_499 = arith.index_cast %add3A_498 : i32 to index
      %get3A_500 = arith.constant 32 : index
      %get3A_501 = tpu.vector_load %arg6[%get3A_499, %get3A_500] {strides = array<i32>} : memref<640x64xf32, #tpu.memory_space<vmem>>, vector<1x16xf32>,
      %get3A_502 = vector.shape_cast %get3A_501 : vector<1x16xf32> to vector<16xf32>
      %add3A_503 = arith.addf %add3A_494, %get3A_502 : vector<16xf32>
      %mul3A_504 = arith.constant 20 : i32
      %mul3A_505 = arith.muli %scan3A_106, %mul3A_504 : i32
      %add3A_506 = arith.constant 2 : i32
      %add3A_507 = arith.addi %mul3A_505, %add3A_506 : i32
      %get3A_508 = arith.index_cast %add3A_507 : i32 to index
      %get3A_509 = arith.constant 32 : index
      %get3A_510 = tpu.vector_load %arg6[%get3A_508, %get3A_509] {strides = array<i32>} : memref<640x64xf32, #tpu.memory_space<vmem>>, vector<1x16xf32>,
      %get3A_511 = vector.shape_cast %get3A_510 : vector<1x16xf32> to vector<16xf32>
      %add3A_512 = arith.addf %add3A_503, %get3A_511 : vector<16xf32>
      %mul3A_513 = arith.constant 20 : i32
      %mul3A_514 = arith.muli %scan3A_106, %mul3A_513 : i32
      %add3A_515 = arith.constant 3 : i32
      %add3A_516 = arith.addi %mul3A_514, %add3A_515 : i32
      %get3A_517 = arith.index_cast %add3A_516 : i32 to index
      %get3A_518 = arith.constant 32 : index
      %get3A_519 = tpu.vector_load %arg6[%get3A_517, %get3A_518] {strides = array<i32>} : memref<640x64xf32, #tpu.memory_space<vmem>>, vector<1x16xf32>,
      %get3A_520 = vector.shape_cast %get3A_519 : vector<1x16xf32> to vector<16xf32>
      %add3A_521 = arith.addf %add3A_512, %get3A_520 : vector<16xf32>
      %mul3A_522 = arith.constant 20 : i32
      %mul3A_523 = arith.muli %scan3A_106, %mul3A_522 : i32
      %add3A_524 = arith.constant 4 : i32
      %add3A_525 = arith.addi %mul3A_523, %add3A_524 : i32
      %get3A_526 = arith.index_cast %add3A_525 : i32 to index
      %get3A_527 = arith.constant 32 : index
      %get3A_528 = tpu.vector_load %arg6[%get3A_526, %get3A_527] {strides = array<i32>} : memref<640x64xf32, #tpu.memory_space<vmem>>, vector<1x16xf32>,
      %get3A_529 = vector.shape_cast %get3A_528 : vector<1x16xf32> to vector<16xf32>
      %add3A_530 = arith.addf %add3A_521, %get3A_529 : vector<16xf32>
      %mul3A_531 = arith.constant 20 : i32
      %mul3A_532 = arith.muli %scan3A_106, %mul3A_531 : i32
      %add3A_533 = arith.constant 5 : i32
      %add3A_534 = arith.addi %mul3A_532, %add3A_533 : i32
      %get3A_535 = arith.index_cast %add3A_534 : i32 to index
      %get3A_536 = arith.constant 32 : index
      %get3A_537 = tpu.vector_load %arg6[%get3A_535, %get3A_536] {strides = array<i32>} : memref<640x64xf32, #tpu.memory_space<vmem>>, vector<1x16xf32>,
      %get3A_538 = vector.shape_cast %get3A_537 : vector<1x16xf32> to vector<16xf32>
      %add3A_539 = arith.addf %add3A_530, %get3A_538 : vector<16xf32>
      %mul3A_540 = arith.constant 20 : i32
      %mul3A_541 = arith.muli %scan3A_106, %mul3A_540 : i32
      %add3A_542 = arith.constant 6 : i32
      %add3A_543 = arith.addi %mul3A_541, %add3A_542 : i32
      %get3A_544 = arith.index_cast %add3A_543 : i32 to index
      %get3A_545 = arith.constant 32 : index
      %get3A_546 = tpu.vector_load %arg6[%get3A_544, %get3A_545] {strides = array<i32>} : memref<640x64xf32, #tpu.memory_space<vmem>>, vector<1x16xf32>,
      %get3A_547 = vector.shape_cast %get3A_546 : vector<1x16xf32> to vector<16xf32>
      %add3A_548 = arith.addf %add3A_539, %get3A_547 : vector<16xf32>
      %mul3A_549 = arith.constant 20 : i32
      %mul3A_550 = arith.muli %scan3A_106, %mul3A_549 : i32
      %add3A_551 = arith.constant 7 : i32
      %add3A_552 = arith.addi %mul3A_550, %add3A_551 : i32
      %get3A_553 = arith.index_cast %add3A_552 : i32 to index
      %get3A_554 = arith.constant 32 : index
      %get3A_555 = tpu.vector_load %arg6[%get3A_553, %get3A_554] {strides = array<i32>} : memref<640x64xf32, #tpu.memory_space<vmem>>, vector<1x16xf32>,
      %get3A_556 = vector.shape_cast %get3A_555 : vector<1x16xf32> to vector<16xf32>
      %add3A_557 = arith.addf %add3A_548, %get3A_556 : vector<16xf32>
      %mul3A_558 = arith.constant 20 : i32
      %mul3A_559 = arith.muli %scan3A_106, %mul3A_558 : i32
      %add3A_560 = arith.constant 8 : i32
      %add3A_561 = arith.addi %mul3A_559, %add3A_560 : i32
      %get3A_562 = arith.index_cast %add3A_561 : i32 to index
      %get3A_563 = arith.constant 32 : index
      %get3A_564 = tpu.vector_load %arg6[%get3A_562, %get3A_563] {strides = array<i32>} : memref<640x64xf32, #tpu.memory_space<vmem>>, vector<1x16xf32>,
      %get3A_565 = vector.shape_cast %get3A_564 : vector<1x16xf32> to vector<16xf32>
      %add3A_566 = arith.addf %add3A_557, %get3A_565 : vector<16xf32>
      %mul3A_567 = arith.constant 20 : i32
      %mul3A_568 = arith.muli %scan3A_106, %mul3A_567 : i32
      %add3A_569 = arith.constant 9 : i32
      %add3A_570 = arith.addi %mul3A_568, %add3A_569 : i32
      %get3A_571 = arith.index_cast %add3A_570 : i32 to index
      %get3A_572 = arith.constant 32 : index
      %get3A_573 = tpu.vector_load %arg6[%get3A_571, %get3A_572] {strides = array<i32>} : memref<640x64xf32, #tpu.memory_space<vmem>>, vector<1x16xf32>,
      %get3A_574 = vector.shape_cast %get3A_573 : vector<1x16xf32> to vector<16xf32>
      %add3A_575 = arith.addf %add3A_566, %get3A_574 : vector<16xf32>
      %mul3A_576 = arith.constant 20 : i32
      %mul3A_577 = arith.muli %scan3A_106, %mul3A_576 : i32
      %add3A_578 = arith.constant 10 : i32
      %add3A_579 = arith.addi %mul3A_577, %add3A_578 : i32
      %get3A_580 = arith.index_cast %add3A_579 : i32 to index
      %get3A_581 = arith.constant 32 : index
      %get3A_582 = tpu.vector_load %arg6[%get3A_580, %get3A_581] {strides = array<i32>} : memref<640x64xf32, #tpu.memory_space<vmem>>, vector<1x16xf32>,
      %get3A_583 = vector.shape_cast %get3A_582 : vector<1x16xf32> to vector<16xf32>
      %add3A_584 = arith.addf %add3A_575, %get3A_583 : vector<16xf32>
      %mul3A_585 = arith.constant 20 : i32
      %mul3A_586 = arith.muli %scan3A_106, %mul3A_585 : i32
      %add3A_587 = arith.constant 11 : i32
      %add3A_588 = arith.addi %mul3A_586, %add3A_587 : i32
      %get3A_589 = arith.index_cast %add3A_588 : i32 to index
      %get3A_590 = arith.constant 32 : index
      %get3A_591 = tpu.vector_load %arg6[%get3A_589, %get3A_590] {strides = array<i32>} : memref<640x64xf32, #tpu.memory_space<vmem>>, vector<1x16xf32>,
      %get3A_592 = vector.shape_cast %get3A_591 : vector<1x16xf32> to vector<16xf32>
      %add3A_593 = arith.addf %add3A_584, %get3A_592 : vector<16xf32>
      %mul3A_594 = arith.constant 20 : i32
      %mul3A_595 = arith.muli %scan3A_106, %mul3A_594 : i32
      %add3A_596 = arith.constant 12 : i32
      %add3A_597 = arith.addi %mul3A_595, %add3A_596 : i32
      %get3A_598 = arith.index_cast %add3A_597 : i32 to index
      %get3A_599 = arith.constant 32 : index
      %get3A_600 = tpu.vector_load %arg6[%get3A_598, %get3A_599] {strides = array<i32>} : memref<640x64xf32, #tpu.memory_space<vmem>>, vector<1x16xf32>,
      %get3A_601 = vector.shape_cast %get3A_600 : vector<1x16xf32> to vector<16xf32>
      %add3A_602 = arith.addf %add3A_593, %get3A_601 : vector<16xf32>
      %mul3A_603 = arith.constant 20 : i32
      %mul3A_604 = arith.muli %scan3A_106, %mul3A_603 : i32
      %add3A_605 = arith.constant 13 : i32
      %add3A_606 = arith.addi %mul3A_604, %add3A_605 : i32
      %get3A_607 = arith.index_cast %add3A_606 : i32 to index
      %get3A_608 = arith.constant 32 : index
      %get3A_609 = tpu.vector_load %arg6[%get3A_607, %get3A_608] {strides = array<i32>} : memref<640x64xf32, #tpu.memory_space<vmem>>, vector<1x16xf32>,
      %get3A_610 = vector.shape_cast %get3A_609 : vector<1x16xf32> to vector<16xf32>
      %add3A_611 = arith.addf %add3A_602, %get3A_610 : vector<16xf32>
      %mul3A_612 = arith.constant 20 : i32
      %mul3A_613 = arith.muli %scan3A_106, %mul3A_612 : i32
      %add3A_614 = arith.constant 14 : i32
      %add3A_615 = arith.addi %mul3A_613, %add3A_614 : i32
      %get3A_616 = arith.index_cast %add3A_615 : i32 to index
      %get3A_617 = arith.constant 32 : index
      %get3A_618 = tpu.vector_load %arg6[%get3A_616, %get3A_617] {strides = array<i32>} : memref<640x64xf32, #tpu.memory_space<vmem>>, vector<1x16xf32>,
      %get3A_619 = vector.shape_cast %get3A_618 : vector<1x16xf32> to vector<16xf32>
      %add3A_620 = arith.addf %add3A_611, %get3A_619 : vector<16xf32>
      %mul3A_621 = arith.constant 20 : i32
      %mul3A_622 = arith.muli %scan3A_106, %mul3A_621 : i32
      %add3A_623 = arith.constant 15 : i32
      %add3A_624 = arith.addi %mul3A_622, %add3A_623 : i32
      %get3A_625 = arith.index_cast %add3A_624 : i32 to index
      %get3A_626 = arith.constant 32 : index
      %get3A_627 = tpu.vector_load %arg6[%get3A_625, %get3A_626] {strides = array<i32>} : memref<640x64xf32, #tpu.memory_space<vmem>>, vector<1x16xf32>,
      %get3A_628 = vector.shape_cast %get3A_627 : vector<1x16xf32> to vector<16xf32>
      %add3A_629 = arith.addf %add3A_620, %get3A_628 : vector<16xf32>
      %mul3A_630 = arith.constant 20 : i32
      %mul3A_631 = arith.muli %scan3A_106, %mul3A_630 : i32
      %add3A_632 = arith.constant 16 : i32
      %add3A_633 = arith.addi %mul3A_631, %add3A_632 : i32
      %get3A_634 = arith.index_cast %add3A_633 : i32 to index
      %get3A_635 = arith.constant 32 : index
      %get3A_636 = tpu.vector_load %arg6[%get3A_634, %get3A_635] {strides = array<i32>} : memref<640x64xf32, #tpu.memory_space<vmem>>, vector<1x16xf32>,
      %get3A_637 = vector.shape_cast %get3A_636 : vector<1x16xf32> to vector<16xf32>
      %add3A_638 = arith.addf %add3A_629, %get3A_637 : vector<16xf32>
      %mul3A_639 = arith.constant 20 : i32
      %mul3A_640 = arith.muli %scan3A_106, %mul3A_639 : i32
      %add3A_641 = arith.constant 17 : i32
      %add3A_642 = arith.addi %mul3A_640, %add3A_641 : i32
      %get3A_643 = arith.index_cast %add3A_642 : i32 to index
      %get3A_644 = arith.constant 32 : index
      %get3A_645 = tpu.vector_load %arg6[%get3A_643, %get3A_644] {strides = array<i32>} : memref<640x64xf32, #tpu.memory_space<vmem>>, vector<1x16xf32>,
      %get3A_646 = vector.shape_cast %get3A_645 : vector<1x16xf32> to vector<16xf32>
      %add3A_647 = arith.addf %add3A_638, %get3A_646 : vector<16xf32>
      %mul3A_648 = arith.constant 20 : i32
      %mul3A_649 = arith.muli %scan3A_106, %mul3A_648 : i32
      %add3A_650 = arith.constant 18 : i32
      %add3A_651 = arith.addi %mul3A_649, %add3A_650 : i32
      %get3A_652 = arith.index_cast %add3A_651 : i32 to index
      %get3A_653 = arith.constant 32 : index
      %get3A_654 = tpu.vector_load %arg6[%get3A_652, %get3A_653] {strides = array<i32>} : memref<640x64xf32, #tpu.memory_space<vmem>>, vector<1x16xf32>,
      %get3A_655 = vector.shape_cast %get3A_654 : vector<1x16xf32> to vector<16xf32>
      %add3A_656 = arith.addf %add3A_647, %get3A_655 : vector<16xf32>
      %mul3A_657 = arith.constant 20 : i32
      %mul3A_658 = arith.muli %scan3A_106, %mul3A_657 : i32
      %add3A_659 = arith.constant 19 : i32
      %add3A_660 = arith.addi %mul3A_658, %add3A_659 : i32
      %get3A_661 = arith.index_cast %add3A_660 : i32 to index
      %get3A_662 = arith.constant 32 : index
      %get3A_663 = tpu.vector_load %arg6[%get3A_661, %get3A_662] {strides = array<i32>} : memref<640x64xf32, #tpu.memory_space<vmem>>, vector<1x16xf32>,
      %get3A_664 = vector.shape_cast %get3A_663 : vector<1x16xf32> to vector<16xf32>
      %add3A_665 = arith.addf %add3A_656, %get3A_664 : vector<16xf32>
      %mul3A_666 = arith.constant 5.000000e-02 : f32
      %mul3A_667 = vector.broadcast %mul3A_666 : f32 to vector<16xf32>
      %mul3A_668 = arith.mulf %add3A_665, %mul3A_667 : vector<16xf32>
      %swap3A_669 = arith.index_cast %scan3A_106 : i32 to index
      %swap3A_670 = arith.constant 32 : index
      %swap3A_671 = tpu.vector_load %arg7[%swap3A_669, %swap3A_670] {strides = array<i32>} : memref<32x64xf32, #tpu.memory_space<vmem>>, vector<1x16xf32>,
      %swap3A_672 = vector.shape_cast %swap3A_671 : vector<1x16xf32> to vector<16xf32>
      %swap3A_673 = vector.shape_cast %mul3A_668 : vector<16xf32> to vector<1x16xf32>
      tpu.vector_store %arg7[%swap3A_669, %swap3A_670], %swap3A_673 {strides = array<i32>} : memref<32x64xf32, #tpu.memory_space<vmem>>, vector<1x16xf32>,
      %broadcast_in_dim3A_674 = arith.constant 0.000000e+00 : f32
      %broadcast_in_dim3A_675 = vector.broadcast %broadcast_in_dim3A_674 : f32 to vector<16xf32>
      %mul3A_676 = arith.constant 20 : i32
      %mul3A_677 = arith.muli %scan3A_106, %mul3A_676 : i32
      %add3A_678 = arith.constant 0 : i32
      %add3A_679 = arith.addi %mul3A_677, %add3A_678 : i32
      %get3A_680 = arith.index_cast %add3A_679 : i32 to index
      %get3A_681 = arith.constant 48 : index
      %get3A_682 = tpu.vector_load %arg6[%get3A_680, %get3A_681] {strides = array<i32>} : memref<640x64xf32, #tpu.memory_space<vmem>>, vector<1x16xf32>,
      %get3A_683 = vector.shape_cast %get3A_682 : vector<1x16xf32> to vector<16xf32>
      %add3A_684 = arith.addf %broadcast_in_dim3A_675, %get3A_683 : vector<16xf32>
      %mul3A_685 = arith.constant 20 : i32
      %mul3A_686 = arith.muli %scan3A_106, %mul3A_685 : i32
      %add3A_687 = arith.constant 1 : i32
      %add3A_688 = arith.addi %mul3A_686, %add3A_687 : i32
      %get3A_689 = arith.index_cast %add3A_688 : i32 to index
      %get3A_690 = arith.constant 48 : index
      %get3A_691 = tpu.vector_load %arg6[%get3A_689, %get3A_690] {strides = array<i32>} : memref<640x64xf32, #tpu.memory_space<vmem>>, vector<1x16xf32>,
      %get3A_692 = vector.shape_cast %get3A_691 : vector<1x16xf32> to vector<16xf32>
      %add3A_693 = arith.addf %add3A_684, %get3A_692 : vector<16xf32>
      %mul3A_694 = arith.constant 20 : i32
      %mul3A_695 = arith.muli %scan3A_106, %mul3A_694 : i32
      %add3A_696 = arith.constant 2 : i32
      %add3A_697 = arith.addi %mul3A_695, %add3A_696 : i32
      %get3A_698 = arith.index_cast %add3A_697 : i32 to index
      %get3A_699 = arith.constant 48 : index
      %get3A_700 = tpu.vector_load %arg6[%get3A_698, %get3A_699] {strides = array<i32>} : memref<640x64xf32, #tpu.memory_space<vmem>>, vector<1x16xf32>,
      %get3A_701 = vector.shape_cast %get3A_700 : vector<1x16xf32> to vector<16xf32>
      %add3A_702 = arith.addf %add3A_693, %get3A_701 : vector<16xf32>
      %mul3A_703 = arith.constant 20 : i32
      %mul3A_704 = arith.muli %scan3A_106, %mul3A_703 : i32
      %add3A_705 = arith.constant 3 : i32
      %add3A_706 = arith.addi %mul3A_704, %add3A_705 : i32
      %get3A_707 = arith.index_cast %add3A_706 : i32 to index
      %get3A_708 = arith.constant 48 : index
      %get3A_709 = tpu.vector_load %arg6[%get3A_707, %get3A_708] {strides = array<i32>} : memref<640x64xf32, #tpu.memory_space<vmem>>, vector<1x16xf32>,
      %get3A_710 = vector.shape_cast %get3A_709 : vector<1x16xf32> to vector<16xf32>
      %add3A_711 = arith.addf %add3A_702, %get3A_710 : vector<16xf32>
      %mul3A_712 = arith.constant 20 : i32
      %mul3A_713 = arith.muli %scan3A_106, %mul3A_712 : i32
      %add3A_714 = arith.constant 4 : i32
      %add3A_715 = arith.addi %mul3A_713, %add3A_714 : i32
      %get3A_716 = arith.index_cast %add3A_715 : i32 to index
      %get3A_717 = arith.constant 48 : index
      %get3A_718 = tpu.vector_load %arg6[%get3A_716, %get3A_717] {strides = array<i32>} : memref<640x64xf32, #tpu.memory_space<vmem>>, vector<1x16xf32>,
      %get3A_719 = vector.shape_cast %get3A_718 : vector<1x16xf32> to vector<16xf32>
      %add3A_720 = arith.addf %add3A_711, %get3A_719 : vector<16xf32>
      %mul3A_721 = arith.constant 20 : i32
      %mul3A_722 = arith.muli %scan3A_106, %mul3A_721 : i32
      %add3A_723 = arith.constant 5 : i32
      %add3A_724 = arith.addi %mul3A_722, %add3A_723 : i32
      %get3A_725 = arith.index_cast %add3A_724 : i32 to index
      %get3A_726 = arith.constant 48 : index
      %get3A_727 = tpu.vector_load %arg6[%get3A_725, %get3A_726] {strides = array<i32>} : memref<640x64xf32, #tpu.memory_space<vmem>>, vector<1x16xf32>,
      %get3A_728 = vector.shape_cast %get3A_727 : vector<1x16xf32> to vector<16xf32>
      %add3A_729 = arith.addf %add3A_720, %get3A_728 : vector<16xf32>
      %mul3A_730 = arith.constant 20 : i32
      %mul3A_731 = arith.muli %scan3A_106, %mul3A_730 : i32
      %add3A_732 = arith.constant 6 : i32
      %add3A_733 = arith.addi %mul3A_731, %add3A_732 : i32
      %get3A_734 = arith.index_cast %add3A_733 : i32 to index
      %get3A_735 = arith.constant 48 : index
      %get3A_736 = tpu.vector_load %arg6[%get3A_734, %get3A_735] {strides = array<i32>} : memref<640x64xf32, #tpu.memory_space<vmem>>, vector<1x16xf32>,
      %get3A_737 = vector.shape_cast %get3A_736 : vector<1x16xf32> to vector<16xf32>
      %add3A_738 = arith.addf %add3A_729, %get3A_737 : vector<16xf32>
      %mul3A_739 = arith.constant 20 : i32
      %mul3A_740 = arith.muli %scan3A_106, %mul3A_739 : i32
      %add3A_741 = arith.constant 7 : i32
      %add3A_742 = arith.addi %mul3A_740, %add3A_741 : i32
      %get3A_743 = arith.index_cast %add3A_742 : i32 to index
      %get3A_744 = arith.constant 48 : index
      %get3A_745 = tpu.vector_load %arg6[%get3A_743, %get3A_744] {strides = array<i32>} : memref<640x64xf32, #tpu.memory_space<vmem>>, vector<1x16xf32>,
      %get3A_746 = vector.shape_cast %get3A_745 : vector<1x16xf32> to vector<16xf32>
      %add3A_747 = arith.addf %add3A_738, %get3A_746 : vector<16xf32>
      %mul3A_748 = arith.constant 20 : i32
      %mul3A_749 = arith.muli %scan3A_106, %mul3A_748 : i32
      %add3A_750 = arith.constant 8 : i32
      %add3A_751 = arith.addi %mul3A_749, %add3A_750 : i32
      %get3A_752 = arith.index_cast %add3A_751 : i32 to index
      %get3A_753 = arith.constant 48 : index
      %get3A_754 = tpu.vector_load %arg6[%get3A_752, %get3A_753] {strides = array<i32>} : memref<640x64xf32, #tpu.memory_space<vmem>>, vector<1x16xf32>,
      %get3A_755 = vector.shape_cast %get3A_754 : vector<1x16xf32> to vector<16xf32>
      %add3A_756 = arith.addf %add3A_747, %get3A_755 : vector<16xf32>
      %mul3A_757 = arith.constant 20 : i32
      %mul3A_758 = arith.muli %scan3A_106, %mul3A_757 : i32
      %add3A_759 = arith.constant 9 : i32
      %add3A_760 = arith.addi %mul3A_758, %add3A_759 : i32
      %get3A_761 = arith.index_cast %add3A_760 : i32 to index
      %get3A_762 = arith.constant 48 : index
      %get3A_763 = tpu.vector_load %arg6[%get3A_761, %get3A_762] {strides = array<i32>} : memref<640x64xf32, #tpu.memory_space<vmem>>, vector<1x16xf32>,
      %get3A_764 = vector.shape_cast %get3A_763 : vector<1x16xf32> to vector<16xf32>
      %add3A_765 = arith.addf %add3A_756, %get3A_764 : vector<16xf32>
      %mul3A_766 = arith.constant 20 : i32
      %mul3A_767 = arith.muli %scan3A_106, %mul3A_766 : i32
      %add3A_768 = arith.constant 10 : i32
      %add3A_769 = arith.addi %mul3A_767, %add3A_768 : i32
      %get3A_770 = arith.index_cast %add3A_769 : i32 to index
      %get3A_771 = arith.constant 48 : index
      %get3A_772 = tpu.vector_load %arg6[%get3A_770, %get3A_771] {strides = array<i32>} : memref<640x64xf32, #tpu.memory_space<vmem>>, vector<1x16xf32>,
      %get3A_773 = vector.shape_cast %get3A_772 : vector<1x16xf32> to vector<16xf32>
      %add3A_774 = arith.addf %add3A_765, %get3A_773 : vector<16xf32>
      %mul3A_775 = arith.constant 20 : i32
      %mul3A_776 = arith.muli %scan3A_106, %mul3A_775 : i32
      %add3A_777 = arith.constant 11 : i32
      %add3A_778 = arith.addi %mul3A_776, %add3A_777 : i32
      %get3A_779 = arith.index_cast %add3A_778 : i32 to index
      %get3A_780 = arith.constant 48 : index
      %get3A_781 = tpu.vector_load %arg6[%get3A_779, %get3A_780] {strides = array<i32>} : memref<640x64xf32, #tpu.memory_space<vmem>>, vector<1x16xf32>,
      %get3A_782 = vector.shape_cast %get3A_781 : vector<1x16xf32> to vector<16xf32>
      %add3A_783 = arith.addf %add3A_774, %get3A_782 : vector<16xf32>
      %mul3A_784 = arith.constant 20 : i32
      %mul3A_785 = arith.muli %scan3A_106, %mul3A_784 : i32
      %add3A_786 = arith.constant 12 : i32
      %add3A_787 = arith.addi %mul3A_785, %add3A_786 : i32
      %get3A_788 = arith.index_cast %add3A_787 : i32 to index
      %get3A_789 = arith.constant 48 : index
      %get3A_790 = tpu.vector_load %arg6[%get3A_788, %get3A_789] {strides = array<i32>} : memref<640x64xf32, #tpu.memory_space<vmem>>, vector<1x16xf32>,
      %get3A_791 = vector.shape_cast %get3A_790 : vector<1x16xf32> to vector<16xf32>
      %add3A_792 = arith.addf %add3A_783, %get3A_791 : vector<16xf32>
      %mul3A_793 = arith.constant 20 : i32
      %mul3A_794 = arith.muli %scan3A_106, %mul3A_793 : i32
      %add3A_795 = arith.constant 13 : i32
      %add3A_796 = arith.addi %mul3A_794, %add3A_795 : i32
      %get3A_797 = arith.index_cast %add3A_796 : i32 to index
      %get3A_798 = arith.constant 48 : index
      %get3A_799 = tpu.vector_load %arg6[%get3A_797, %get3A_798] {strides = array<i32>} : memref<640x64xf32, #tpu.memory_space<vmem>>, vector<1x16xf32>,
      %get3A_800 = vector.shape_cast %get3A_799 : vector<1x16xf32> to vector<16xf32>
      %add3A_801 = arith.addf %add3A_792, %get3A_800 : vector<16xf32>
      %mul3A_802 = arith.constant 20 : i32
      %mul3A_803 = arith.muli %scan3A_106, %mul3A_802 : i32
      %add3A_804 = arith.constant 14 : i32
      %add3A_805 = arith.addi %mul3A_803, %add3A_804 : i32
      %get3A_806 = arith.index_cast %add3A_805 : i32 to index
      %get3A_807 = arith.constant 48 : index
      %get3A_808 = tpu.vector_load %arg6[%get3A_806, %get3A_807] {strides = array<i32>} : memref<640x64xf32, #tpu.memory_space<vmem>>, vector<1x16xf32>,
      %get3A_809 = vector.shape_cast %get3A_808 : vector<1x16xf32> to vector<16xf32>
      %add3A_810 = arith.addf %add3A_801, %get3A_809 : vector<16xf32>
      %mul3A_811 = arith.constant 20 : i32
      %mul3A_812 = arith.muli %scan3A_106, %mul3A_811 : i32
      %add3A_813 = arith.constant 15 : i32
      %add3A_814 = arith.addi %mul3A_812, %add3A_813 : i32
      %get3A_815 = arith.index_cast %add3A_814 : i32 to index
      %get3A_816 = arith.constant 48 : index
      %get3A_817 = tpu.vector_load %arg6[%get3A_815, %get3A_816] {strides = array<i32>} : memref<640x64xf32, #tpu.memory_space<vmem>>, vector<1x16xf32>,
      %get3A_818 = vector.shape_cast %get3A_817 : vector<1x16xf32> to vector<16xf32>
      %add3A_819 = arith.addf %add3A_810, %get3A_818 : vector<16xf32>
      %mul3A_820 = arith.constant 20 : i32
      %mul3A_821 = arith.muli %scan3A_106, %mul3A_820 : i32
      %add3A_822 = arith.constant 16 : i32
      %add3A_823 = arith.addi %mul3A_821, %add3A_822 : i32
      %get3A_824 = arith.index_cast %add3A_823 : i32 to index
      %get3A_825 = arith.constant 48 : index
      %get3A_826 = tpu.vector_load %arg6[%get3A_824, %get3A_825] {strides = array<i32>} : memref<640x64xf32, #tpu.memory_space<vmem>>, vector<1x16xf32>,
      %get3A_827 = vector.shape_cast %get3A_826 : vector<1x16xf32> to vector<16xf32>
      %add3A_828 = arith.addf %add3A_819, %get3A_827 : vector<16xf32>
      %mul3A_829 = arith.constant 20 : i32
      %mul3A_830 = arith.muli %scan3A_106, %mul3A_829 : i32
      %add3A_831 = arith.constant 17 : i32
      %add3A_832 = arith.addi %mul3A_830, %add3A_831 : i32
      %get3A_833 = arith.index_cast %add3A_832 : i32 to index
      %get3A_834 = arith.constant 48 : index
      %get3A_835 = tpu.vector_load %arg6[%get3A_833, %get3A_834] {strides = array<i32>} : memref<640x64xf32, #tpu.memory_space<vmem>>, vector<1x16xf32>,
      %get3A_836 = vector.shape_cast %get3A_835 : vector<1x16xf32> to vector<16xf32>
      %add3A_837 = arith.addf %add3A_828, %get3A_836 : vector<16xf32>
      %mul3A_838 = arith.constant 20 : i32
      %mul3A_839 = arith.muli %scan3A_106, %mul3A_838 : i32
      %add3A_840 = arith.constant 18 : i32
      %add3A_841 = arith.addi %mul3A_839, %add3A_840 : i32
      %get3A_842 = arith.index_cast %add3A_841 : i32 to index
      %get3A_843 = arith.constant 48 : index
      %get3A_844 = tpu.vector_load %arg6[%get3A_842, %get3A_843] {strides = array<i32>} : memref<640x64xf32, #tpu.memory_space<vmem>>, vector<1x16xf32>,
      %get3A_845 = vector.shape_cast %get3A_844 : vector<1x16xf32> to vector<16xf32>
      %add3A_846 = arith.addf %add3A_837, %get3A_845 : vector<16xf32>
      %mul3A_847 = arith.constant 20 : i32
      %mul3A_848 = arith.muli %scan3A_106, %mul3A_847 : i32
      %add3A_849 = arith.constant 19 : i32
      %add3A_850 = arith.addi %mul3A_848, %add3A_849 : i32
      %get3A_851 = arith.index_cast %add3A_850 : i32 to index
      %get3A_852 = arith.constant 48 : index
      %get3A_853 = tpu.vector_load %arg6[%get3A_851, %get3A_852] {strides = array<i32>} : memref<640x64xf32, #tpu.memory_space<vmem>>, vector<1x16xf32>,
      %get3A_854 = vector.shape_cast %get3A_853 : vector<1x16xf32> to vector<16xf32>
      %add3A_855 = arith.addf %add3A_846, %get3A_854 : vector<16xf32>
      %mul3A_856 = arith.constant 5.000000e-02 : f32
      %mul3A_857 = vector.broadcast %mul3A_856 : f32 to vector<16xf32>
      %mul3A_858 = arith.mulf %add3A_855, %mul3A_857 : vector<16xf32>
      %swap3A_859 = arith.index_cast %scan3A_106 : i32 to index
      %swap3A_860 = arith.constant 48 : index
      %swap3A_861 = tpu.vector_load %arg7[%swap3A_859, %swap3A_860] {strides = array<i32>} : memref<32x64xf32, #tpu.memory_space<vmem>>, vector<1x16xf32>,
      %swap3A_862 = vector.shape_cast %swap3A_861 : vector<1x16xf32> to vector<16xf32>
      %swap3A_863 = vector.shape_cast %mul3A_858 : vector<16xf32> to vector<1x16xf32>
      tpu.vector_store %arg7[%swap3A_859, %swap3A_860], %swap3A_863 {strides = array<i32>} : memref<32x64xf32, #tpu.memory_space<vmem>>, vector<1x16xf32>,
    }
    %scan3A_103 = arith.constant 32 : i32
    %mul3A_104 = arith.constant 32 : i32
    %mul3A_105 = arith.muli %add3A, %mul3A_104 : i32
    "tpu.region"() ({
      %run_scoped3A = tpu.sem_alloc : memref<!tpu.dma_semaphore, #tpu.memory_space<semaphore_mem>>
      %dma_start3A_106 = arith.constant 0 : i32
      %dma_start3A_107 = tpu.memref_slice %arg4[%mul3A_105, %dma_start3A_106] : memref<1024x64xf32, #tpu.memory_space<hbm>> -> memref<32x64xf32, #tpu.memory_space<hbm>>
      %dma_start3A_108 = arith.constant 0 : i32
      %dma_start3A_109 = tpu.memref_slice %arg4[%mul3A_105, %dma_start3A_108] : memref<1024x64xf32, #tpu.memory_space<hbm>> -> memref<32x64xf32, #tpu.memory_space<hbm>>
      tpu.enqueue_dma source(%arg7 : memref<32x64xf32, #tpu.memory_space<vmem>>) target(%dma_start3A_109 : memref<32x64xf32, #tpu.memory_space<hbm>>) target_semaphore(%run_scoped3A : memref<!tpu.dma_semaphore, #tpu.memory_space<semaphore_mem>>)
      %dma_wait3A_110 = arith.constant 0 : i32
      %dma_wait3A_111 = tpu.memref_slice %arg4[%mul3A_105, %dma_wait3A_110] : memref<1024x64xf32, #tpu.memory_space<hbm>> -> memref<32x64xf32, #tpu.memory_space<hbm>>
      %dma_wait3A_112 = arith.constant 0 : i32
      %dma_wait3A_113 = tpu.memref_slice %arg4[%mul3A_105, %dma_wait3A_112] : memref<1024x64xf32, #tpu.memory_space<hbm>> -> memref<32x64xf32, #tpu.memory_space<hbm>>
      tpu.wait_dma2 semaphore(%run_scoped3A : memref<!tpu.dma_semaphore, #tpu.memory_space<semaphore_mem>>) src(%arg7 : memref<32x64xf32, #tpu.memory_space<vmem>>) dst(%dma_wait3A_113 : memref<32x64xf32, #tpu.memory_space<hbm>>)
      tpu.yield
    }) : () -> ()
    return
  }
}

module attributes {stable_mosaic.version = 14 : i64} {
  func.func @mm(%arg0: i32, %arg1: memref<1024x64xf32, #tpu.memory_space<vmem>>, %arg2: memref<1024x64xf32, #tpu.memory_space<vmem>>, %arg3: memref<1x1024xf32, #tpu.memory_space<vmem>>, %arg4: memref<1024x1024xf32, #tpu.memory_space<vmem>>) attributes {dimension_semantics = [#tpu.dimension_semantics<arbitrary>], iteration_bounds = array<i64: 98>, scalar_prefetch = 0 : i64, scratch_operands = 0 : i64, tpu.core_type = #tpu.core_type<tc>, window_params = [{pipeline_mode = #tpu.pipeline_mode<synchronous>, transform_indices = @transform_0, window_bounds = array<i64: 1024, 64>}, {transform_indices = @transform_1, window_bounds = array<i64: 1024, 64>}, {transform_indices = @transform_2, window_bounds = array<i64: 1, 1024>}, {transform_indices = @transform_3, window_bounds = array<i64: 1024, 1024>}]} {
    %get3A = arith.constant 0 : index
    %get3A_0 = arith.constant 0 : index
    %get3A_1 = vector.load %arg1[%get3A, %get3A_0] : memref<1024x64xf32, #tpu.memory_space<vmem>>, vector<1024x64xf32>
    %get3A_2 = arith.constant 0 : index
    %get3A_3 = arith.constant 0 : index
    %get3A_4 = vector.load %arg2[%get3A_2, %get3A_3] : memref<1024x64xf32, #tpu.memory_space<vmem>>, vector<1024x64xf32>
    %dot_general3A = arith.constant dense<0.000000e+00> : vector<1024x1024xf32>
    %dot_general3A_5 = tpu.matmul %get3A_1, %get3A_4, %dot_general3A {dimension_numbers = #tpu.dot_dimension_numbers<[1], [1], [0], [0], [0, 0, 1, 0], [], []>, transpose_lhs_hint = false} : vector<1024x64xf32>, vector<1024x64xf32>, vector<1024x1024xf32> -> vector<1024x1024xf32>
    %get3A_6 = arith.constant 0 : index
    %get3A_7 = arith.constant 0 : index
    %get3A_8 = vector.load %arg3[%get3A_6, %get3A_7] : memref<1x1024xf32, #tpu.memory_space<vmem>>, vector<1x1024xf32>
    %add3A = vector.broadcast %get3A_8 : vector<1x1024xf32> to vector<1024x1024xf32>
    %add3A_9 = arith.addf %dot_general3A_5, %add3A : vector<1024x1024xf32>
    %swap3A = arith.constant 0 : index
    %swap3A_10 = arith.constant 0 : index
    %swap3A_11 = vector.load %arg4[%swap3A, %swap3A_10] : memref<1024x1024xf32, #tpu.memory_space<vmem>>, vector<1024x1024xf32>
    tpu.vector_store %arg4[%swap3A, %swap3A_10], %add3A_9 {strides = array<i32>} : memref<1024x1024xf32, #tpu.memory_space<vmem>>, vector<1024x1024xf32>,
    return
  }
  func.func @transform_0(%arg0: i32) -> (i32, i32) {
    %c0_i32 = arith.constant 0 : i32
    %c0_i32_0 = arith.constant 0 : i32
    %c0_i32_1 = arith.constant 0 : i32
    return %c0_i32, %c0_i32_0 : i32, i32
  }
  func.func @transform_1(%arg0: i32) -> (i32, i32) {
    %c0_i32 = arith.constant 0 : i32
    %c0_i32_0 = arith.constant 0 : i32
    return %arg0, %c0_i32 : i32, i32
  }
  func.func @transform_2(%arg0: i32) -> (i32, i32) {
    %c0_i32 = arith.constant 0 : i32
    %c0_i32_0 = arith.constant 0 : i32
    return %c0_i32, %arg0 : i32, i32
  }
  func.func @transform_3(%arg0: i32) -> (i32, i32) {
    %c0_i32 = arith.constant 0 : i32
    %c0_i32_0 = arith.constant 0 : i32
    return %c0_i32, %arg0 : i32, i32
  }
}

</mosaic_0001>

<sc_bundles>
// kernel: kernel.4.cloned.1.call-start
scs
__scs_entry_jumppad:
0x0: {  	(pc) =	sbr.rel $0x88, $3  }
0x1: {  	(tag) =	ssettag $0x0;
	lr =	simm.s32 $0x1  }
0x2: {  	[smem:$0x3F9D] =	sst lr;
	_ =	strace $0xD0000000  }
0x3: {  	_ = 	snop  }
0x4: {  	_ = 	snop  }
0x5: {  	_ = 	snop  }
0x6: {  	_ = 	snop  }
0x7: {  	_ = 	snop  }
__scs_overlays_trampoline_lowered:
0x8: {  	[smem:$0x3FAC] =	sst s0  }
0x9: {  	[smem:$0x3FAD] =	sst s1  }
0xa: {  	[smem:$0x3FAE] =	sst s2  }
0xb: {  	[smem:$0x3FAF] =	sst s3  }
0xc: {  	[smem:$0x3FB0] =	sst s4  }
0xd: {  	[smem:$0x3FB1] =	sst s5  }
0xe: {  	[smem:$0x3FB2] =	sst s6  }
0xf: {  	[smem:$0x3FB3] =	sst s7  }
0x10: {  	[smem:$0x3FB4] =	sst s8  }
0x11: {  	[smem:$0x3FB5] =	sst s9;
	s0 =	simm.s32 @!p0 $0x0  }
0x12: {  	s1 =	sld [smem:$0x3F9B];
	s0 =	simm.s32 @p0 $0x1  }
0x13: {  	[smem:$0x3FB6] =	sst s0;
	s0 =	simm.s32 @!p1 $0x0  }
0x14: {  	s2 =	sld [smem:$0x3F9A];
	s0 =	simm.s32 @p1 $0x1  }
0x15: {  	[smem:$0x3FB7] =	sst s0;
	s0 =	simm.s32 @!p2 $0x0  }
0x16: {  	s3 =	sld [smem:$0x3FDB];
	s0 =	simm.s32 @p2 $0x1  }
0x17: {  	s4 =	simm.s32 $0x1BF5;
	[smem:$0x3FB9] =	sst s0  }
0x18: {  	s0 =	sld [smem:$0x3F9C];
	_ =	swait.ge [sflag:s4], $0x0  }
0x19: {  	s7 =	sld [smem:$0x3F9D]  }
0x1a: {  	s8 =	sadd.s32 $0xFFFFE003, lr  }
0x1b: {  	s9 =	sadd.s32 $0xFFFFFEF7, lr;
	s5 =	simm.s32 $0xFFFFFFFF;
	p2 =	slt.u32 s8, $0xFFFFF086  }
0x1c: {  	p1 =	slt.u32 s9, $0xF7A;
	s5 =	simm.s32 @!p2 $0x0  }
0x1d: {  	s5 =	simm.s32 @p1 $0x1;
	p0 =	seq.s32 s7, s2  }
0x1e: {  	s7 =	smul.u32 @!p0 $0xF7A, s2;
	p2 =	seq.s32 @!p0 s5, $0x0  }
0x1f: {  	s9 =	smul.u32 $0xF7A, s1;
	s8 =	simm.s32 @!p0 $0x1BF5;
	p2 =	por !p2, p0  }
0x20: {  	[sflag:s8] =	ssyncset.s32 @!p0 $0xFFFFF086;
	s6 =	sadd.s32 @!p0 s3, s7;
	s7 =	simm.s32 @!p0 $0x108  }
0x21: {  	s3 =	sadd.s32 s3, s9;
	s6 =	sadd.s32 @!p0 $0x88, s6;
	s7 =	simm.s32 @p2 $0x1082  }
0x22: {  	[simem:s7], [sflag:s8] =	dma.local @!p0 [hbm:s6], $0xF7A  }
0x23: {  	s9 =	sor.u32 $0xD0000000, s2;
	s6 =	simm.s32 $0x108;
	_ =	swait.ge @!p0 [sflag:s8], $0x0  }
0x24: {  	s3 =	sadd.s32 $0x88, s3;
	s6 =	simm.s32 @!p1 $0x1082;
	[sflag:s4] =	ssyncset.s32 $0xFFFFF086  }
0x25: {  	[simem:s6], [sflag:s4] =	dma.local [hbm:s3], $0xF7A  }
0x26: {  	[smem:$0x3F9D] =	sst s1;
	(tag) =	ssettag s2;
	_ =	strace s9  }
0x27: {  	s1 =	sld [smem:$0x3FAD]  }
0x28: {  	s2 =	sld [smem:$0x3FAE]  }
0x29: {  	s4 =	sld [smem:$0x3FB0]  }
0x2a: {  	p0 =	seq.s32 s5, $0x0;
	s5 =	sld [smem:$0x3FB1]  }
0x2b: {  	s6 =	sld [smem:$0x3FB2]  }
0x2c: {  	s7 =	sld [smem:$0x3FB3]  }
0x2d: {  	s3 =	simm.s32 $0x108;
	s8 =	sld [smem:$0x3FB4]  }
0x2e: {  	s3 =	simm.s32 @!p0 $0x1082;
	s9 =	sld [smem:$0x3FB5]  }
0x2f: {  	lr =	sadd.s32 s0, s3;
	s0 =	sld [smem:$0x3FAC]  }
0x30: {  	s3 =	sld [smem:$0x3FAF]  }
0x31: {  	[smem:$0x3FB8] =	sst s10  }
0x32: {  	s10 =	sld [smem:$0x3FB6];
	_ =	sdelay $0x3  }
0x33: {  	p0 =	seq.s32 s10, $0x1;
	s10 =	sld [smem:$0x3FB8];
	_ =	sdelay $0x3  }
0x34: {  	[smem:$0x3FB8] =	sst s10  }
0x35: {  	s10 =	sld [smem:$0x3FB7];
	_ =	sdelay $0x3  }
0x36: {  	p1 =	seq.s32 s10, $0x1;
	s10 =	sld [smem:$0x3FB8];
	_ =	sdelay $0x3  }
0x37: {  	[smem:$0x3FB8] =	sst s10  }
0x38: {  	s10 =	sld [smem:$0x3FB9]  }
0x39: {  	_ = 	snop;
	(pc) =	sbr.ind lr, $3  }
0x3a: {  	_ = 	snop  }
0x3b: {  	_ = 	snop  }
0x3c: {  	p2 =	seq.s32 s10, $0x1;
	s10 =	sld [smem:$0x3FB8]  }
0x3d: {  	_ =	shalt  }
0x3e: {  	_ =	shalt  }
0x3f: {  	_ =	shalt  }
0x40: {  	_ =	shalt  }
0x41: {  	_ =	shalt  }
0x42: {  	_ =	shalt  }
0x43: {  	_ =	shalt  }
0x44: {  	_ =	shalt  }
0x45: {  	_ =	shalt  }
0x46: {  	_ =	shalt  }
0x47: {  	_ =	shalt  }
0x48: {  	_ =	shalt  }
0x49: {  	_ =	shalt  }
0x4a: {  	_ =	shalt  }
0x4b: {  	_ =	shalt  }
0x4c: {  	_ =	shalt  }
0x4d: {  	_ =	shalt  }
0x4e: {  	_ =	shalt  }
0x4f: {  	_ =	shalt  }
0x50: {  	_ =	shalt  }
0x51: {  	_ =	shalt  }
0x52: {  	_ =	shalt  }
0x53: {  	_ =	shalt  }
0x54: {  	_ =	shalt  }
0x55: {  	_ =	shalt  }
0x56: {  	_ =	shalt  }
0x57: {  	_ =	shalt  }
0x58: {  	_ =	shalt  }
0x59: {  	_ =	shalt  }
0x5a: {  	_ =	shalt  }
0x5b: {  	_ =	shalt  }
0x5c: {  	_ =	shalt  }
0x5d: {  	_ =	shalt  }
0x5e: {  	_ =	shalt  }
0x5f: {  	_ =	shalt  }
0x60: {  	_ =	shalt  }
0x61: {  	_ =	shalt  }
0x62: {  	_ =	shalt  }
0x63: {  	_ =	shalt  }
0x64: {  	_ =	shalt  }
0x65: {  	_ =	shalt  }
0x66: {  	_ =	shalt  }
0x67: {  	_ =	shalt  }
0x68: {  	_ =	shalt  }
0x69: {  	_ =	shalt  }
0x6a: {  	_ =	shalt  }
0x6b: {  	_ =	shalt  }
0x6c: {  	_ =	shalt  }
0x6d: {  	_ =	shalt  }
0x6e: {  	_ =	shalt  }
0x6f: {  	_ =	shalt  }
0x70: {  	_ =	shalt  }
0x71: {  	_ =	shalt  }
0x72: {  	_ =	shalt  }
0x73: {  	_ =	shalt  }
0x74: {  	_ =	shalt  }
0x75: {  	_ =	shalt  }
0x76: {  	_ =	shalt  }
0x77: {  	_ =	shalt  }
0x78: {  	_ =	shalt  }
0x79: {  	_ =	shalt  }
0x7a: {  	_ =	shalt  }
0x7b: {  	_ =	shalt  }
0x7c: {  	_ =	shalt  }
0x7d: {  	_ =	shalt  }
0x7e: {  	_ =	shalt  }
0x7f: {  	_ =	shalt  }
0x80: {  	_ =	shalt  }
0x81: {  	_ =	shalt  }
0x82: {  	_ =	shalt  }
0x83: {  	_ =	shalt  }
0x84: {  	_ =	shalt  }
0x85: {  	_ =	shalt  }
0x86: {  	_ =	shalt  }
0x87: {  	_ =	shalt  }
.Lfunc_end0:
.L_simem_size_0:
called_computation_lowered:
.L_overlay_start_0:
0x88: {  	s2 =	sld [smem:$0x3FD9]  }
0x89: {  	s3 =	sld [smem:$0x3FFE];
	_ =	sdelay $0x1  }
0x8a: {  	s1 =	srdreg.scid  }
0x8b: {  	s0 =	sand.u32 $0x1, s1  }
0x8c: {  	s16 =	sshll.u32 s0, $0xA;
	s2 =	sadd.s32 s3, s2  }
0x8d: {  	s2 =	sadd.s32 s2, s16  }
0x8e: {  	[smem:$0x3FC4] =	sst s2  }
0x8f: {  	_ = 	snop  }
0x90: {  	(tm) =	ssettm $0x1  }
0x91: {  	s17 =	sld [smem:$0x3FFB];
	_ =	sdelay $0x3  }
0x92: {  	_ =	strace s17  }
0x93: {  	s2 =	sld [smem:$0x3FFC];
	_ =	sdelay $0x3  }
0x94: {  	_ =	strace s2  }
0x95: {  	s2 =	sld [smem:$0x3FFD];
	_ =	sdelay $0x3  }
0x96: {  	_ =	strace s2  }
0x97: {  	_ =	strace $0x8FFFFFFF  }
0x98: {  	s18 =	sld [smem:$0x3FDB];
	_ =	sdelay $0x1  }
0x99: {  	s19 =	simm.s32 $_scs_section_size  }
0x9a: {  	s4 =	simm.s32 $_size__tile_overlayer_lowered;
	s5 =	simm.s32 $_tile_overlayer_lowered  }
0x9b: {  	s22 =	simm.s32 $0x1BFF;
	s21 =	sshll.u32 s5, $0x1;
	s2 =	sadd.s32 s19, s18  }
0x9c: {  	s6 =	simm.s32 $0x0;
	s20 =	sshll.u32 s4, $0x1;
	s4 =	sadd.s32 s21, s2  }
0x9d: {  	[timem:s6], [sflag:s22] =	dma.local [hbm:s4], s20  }
0x9e: {  	_ =	swait.ge [sflag:s22], s20  }
0x9f: {  	s3 =	ssub.s32 $0x0, s20;
	[sflag:s22] =	ssyncset.done $0x0  }
0xa0: {  	[sflag:s22] =	ssyncadd.s32 s3;
	_ =	sdelay $0x1  }
0xa1: {  	s23 =	simm.s32 $0x1B8B  }
0xa2: {  	_ =	swait.ge [sflag:s23], $0x1  }
0xa3: {  	[sflag:s23] =	ssyncset.done $0x0  }
0xa4: {  	s25 =	simm.s32 $0x1B8E;
	s24 =	sld [smem:$0x3FFE];
	[sflag:s23] =	ssyncadd.s32 $0xFFFFFFFF  }
0xa5: {  	s26 =	simm.s32 $execute0_lowered;
	[smem:$0x3FD2] =	sst s25  }
0xa6: {  	s4 =	sshll.u32 s26, $0x1;
	_ =	strace $0x80000046;
	[dreg:$0x1] =	wrdreg $0xFFFFFFFF  }
0xa7: {  	s28 =	simm.s32 $_size_execute0_lowered;
	s2 =	sadd.s32 s2, s4;
	[dreg:$0x0] =	wrdreg $0x0  }
0xa8: {  	s4 =	sshll.u32 s28, $0x1;
	[dreg:$0x2] =	wrdreg s2  }
0xa9: {  	[dreg:$0x3] =	wrdreg s4  }
0xaa: {  	[dreg:$0x4] =	wrdreg $0xC0  }
0xab: {  	_ =	task [dreg:s6], $0x5FFFF  }
0xac: {  	[dreg:$0x1] =	wrdreg $0xFFFFFFFF  }
0xad: {  	[dreg:$0x0] =	wrdreg $0x60  }
0xae: {  	[dreg:$0x2] =	wrdreg s24  }
0xaf: {  	[dreg:$0x3] =	wrdreg $0x9  }
0xb0: {  	_ =	task.clear_ibuf [dreg:s6], $0x4FFFF;
	_ =	strace $0x90000046  }
0xb1: {  	s29 =	simm.s32 $0x9;
	_ =	strace $0x80000048  }
0xb2: {  	_ =	swait.ge [sflag:s29], $0x1  }
0xb3: {  	[sflag:s29] =	ssyncadd.s32 $0xFFFFFFFF  }
0xb4: {  	_ =	strace $0x90000048  }
0xb5: {  	_ =	sfence  }
0xb6: {  	s30 =	sld [smem:$0x0];
	_ =	sdelay $0x2  }
0xb7: {  	s31 =	sshll.u32 s1, $0xD;
	s1 =	sshrl.u32 s1, $0x2  }
0xb8: {  	s3 =	sand.u32 $0x4000, s31;
	s1 =	sadd.s32 s1, s30  }
0xb9: {  	s0 =	sor.u32 s3, s0;
	s1 =	sshll.u32 s1, $0x11  }
0xba: {  	s0 =	sor.u32 s1, s0  }
0xbb: {  	s0 =	sadd.s32 $0x8F2B, s0  }
0xbc: {  	[sflag:s0] =	ssyncadd.remote.s32 $0x1  }
0xbd: {  	_ =	sfence.sel $0xFFFF  }
0xbe: {  	[dreg:$0x0] =	wrdreg $0xFFFFFFFF;
	(pc) =	sbr.abs _section_cstart, $3  }
0xbf: {  	[dreg:$0x1] =	wrdreg $0xFFFFFFFF  }
0xc0: {  	_ =	task.clear_ibuf [dreg:s6], $0x2FFFF;
	_ =	strace $0x9FFFFFFF  }
0xc1: {  	(tm) =	ssettm $0x7FFFFFFF  }
tec
execute0_lowered:
.L_overlay_start_1:
0x0: {  	(tag) =	ssettag $0x1  }
0x1: {  	s1 =	srdreg.scid  }
0x2: {  	s0 =	stileid.u32;
	s4 =	rddreg [dreg:$0x0];
	s2 =	simm.s32 $0x0  }
0x3: {  	s9 =	simm.s32 $0x280;
	s10 =	simm.s32 $0x2280;
	s11 =	simm.s32 $0x100  }
0x4: {  	s12 =	simm.s32 $0x4280;
	s13 =	simm.s32 $0x180;
	s14 =	simm.s32 $0x6280  }
0x5: {  	s15 =	simm.s32 $0x200;
	s16 =	simm.s32 $0x8280;
	s17 =	simm.s32 $0x1  }
0x6: {  	s18 =	simm.s32 $0xA280;
	s5 =	sand.u32 $0x1, s1;
	s1 =	rddreg [dreg:$0x1]  }
0x7: {  	s19 =	simm.s32 $0x0;
	s3 =	sshll.u32 s0, $0x1;
	[smem:$0x7FF] =	sst s2  }
0x8: {  	s6 =	sor.u32 s5, s3;
	_ =	strace $0x80000047;
	s5 =	ssub.s32 $0x2, s5  }
0x9: {  	s7 =	smul.u32 $0x50, s6;
	s6 =	sshll.u32 s6, $0x8;
	s8 =	sshrl.u32 s5, $0x1  }
0xa: {  	s3 =	sadd.s32 $0x2C00, s4;
	s6 =	sadd.s32 s6, s4;
	s8 =	ssub.s32 s5, s8  }
0xb: {  	s7 =	sadd.s32 s7, s4;
	s5 =	sadd.s32 $0xC6200, s6;
	s6 =	smax.u32 s8, $0x1  }
0xc: {  	s8 =	simm.s32 $0x80;
	s4 =	sadd.s32 $0x2200, s7;
	s7 =	simm.s32 $0x2  }
.LBB2_1:
0xd: {  	[tilespmem:s2], [sflag:$0x2] =	stream.linear.gather [hbm4b:s4+s2], $0x280, $0x38;
	[tilespmem:$0xAA80] =	vst v63  }
0xe: {  	_ =	swait.ge [sflag:s7], $0x280  }
0xf: {  	[sflag:s7] =	ssyncset.done $0x0  }
0x10: {  	[sflag:s7] =	ssyncadd.s32 $0xFFFFFD80  }
0x11: {  	[tilespmem:s9], [sflag:$0x1] =	stream.indirect.gather [hbm4b:s3+s8], $0x40, s2, s8, $0xb8;
	[tilespmem:$0xAA80] =	vst v63  }
0x12: {  	_ = 	snop  }
0x13: {  	[tilespmem:s10], [sflag:$0x1] =	stream.indirect.gather [hbm4b:s3+s8], $0x40, s8, s8, $0xb8;
	[tilespmem:$0xAA80] =	vst v63  }
0x14: {  	_ = 	snop  }
0x15: {  	[tilespmem:s12], [sflag:$0x1] =	stream.indirect.gather [hbm4b:s3+s8], $0x40, s11, s8, $0xb8;
	[tilespmem:$0xAA80] =	vst v63  }
0x16: {  	_ = 	snop  }
0x17: {  	[tilespmem:s14], [sflag:$0x1] =	stream.indirect.gather [hbm4b:s3+s8], $0x40, s13, s8, $0xb8;
	[tilespmem:$0xAA80] =	vst v63  }
0x18: {  	_ = 	snop  }
0x19: {  	[tilespmem:s16], [sflag:$0x1] =	stream.indirect.gather [hbm4b:s3+s8], $0x40, s15, s8, $0xb8;
	[tilespmem:$0xAA80] =	vst v63  }
0x1a: {  	_ =	swait.ge [sflag:s17], $0x2000  }
0x1b: {  	[sflag:s17] =	ssyncset.done $0x0  }
0x1c: {  	[sflag:s17] =	ssyncadd.s32 $0xFFFFE000  }
0x1d: {  	_ =	swait.ge [sflag:s17], $0x2000  }
0x1e: {  	[sflag:s17] =	ssyncset.done $0x0  }
0x1f: {  	[sflag:s17] =	ssyncadd.s32 $0xFFFFE000  }
0x20: {  	_ =	swait.ge [sflag:s17], $0x2000  }
0x21: {  	[sflag:s17] =	ssyncset.done $0x0  }
0x22: {  	[sflag:s17] =	ssyncadd.s32 $0xFFFFE000  }
0x23: {  	_ =	swait.ge [sflag:s17], $0x2000  }
0x24: {  	[sflag:s17] =	ssyncset.done $0x0  }
0x25: {  	[sflag:s17] =	ssyncadd.s32 $0xFFFFE000  }
0x26: {  	_ =	swait.ge [sflag:s17], $0x2000  }
0x27: {  	[sflag:s17] =	ssyncset.done $0x0  }
0x28: {  	s20 =	simm.s32 $0x500;
	[sflag:s17] =	ssyncadd.s32 $0xFFFFE000  }
0x29: {  	v0 =	vld [tilespmem:s20+$0xFFFFFD80];
	_ =	sdelay $0x1  }
0x2a: {  	v1 =	vld [tilespmem:s20+$0xFFFFFDC0];
	_ =	sdelay $0x1  }
0x2b: {  	v2 =	vld [tilespmem:s20+$0xFFFFFE00]  }
0x2c: {  	v0 =	vadd.f32 $0.0e+00, v0  }
0x2d: {  	v3 =	vld [tilespmem:s20+$0xFFFFFE40]  }
0x2e: {  	v0 =	vadd.f32 v1, v0  }
0x2f: {  	v1 =	vld [tilespmem:s20+$0xFFFFFE80]  }
0x30: {  	v0 =	vadd.f32 v2, v0  }
0x31: {  	v2 =	vld [tilespmem:s20+$0xFFFFFEC0]  }
0x32: {  	v0 =	vadd.f32 v3, v0  }
0x33: {  	v3 =	vld [tilespmem:s20+$0xFFFFFF00]  }
0x34: {  	v0 =	vadd.f32 v1, v0  }
0x35: {  	v1 =	vld [tilespmem:s20+$0xFFFFFF40]  }
0x36: {  	v0 =	vadd.f32 v2, v0  }
0x37: {  	v2 =	vld [tilespmem:s20+$0xFFFFFF80]  }
0x38: {  	v0 =	vadd.f32 v3, v0  }
0x39: {  	v3 =	vld [tilespmem:s20+$0xFFFFFFC0]  }
0x3a: {  	v0 =	vadd.f32 v1, v0  }
0x3b: {  	v1 =	vld [tilespmem:s20+$0x0]  }
0x3c: {  	v0 =	vadd.f32 v2, v0  }
0x3d: {  	v2 =	vld [tilespmem:s20+$0x40]  }
0x3e: {  	v0 =	vadd.f32 v3, v0  }
0x3f: {  	v3 =	vld [tilespmem:s20+$0x80]  }
0x40: {  	v0 =	vadd.f32 v1, v0  }
0x41: {  	v1 =	vld [tilespmem:s20+$0xC0]  }
0x42: {  	v0 =	vadd.f32 v2, v0  }
0x43: {  	v2 =	vld [tilespmem:s20+$0x100]  }
0x44: {  	v0 =	vadd.f32 v3, v0  }
0x45: {  	v3 =	vld [tilespmem:s20+$0x140]  }
0x46: {  	v0 =	vadd.f32 v1, v0  }
0x47: {  	v1 =	vld [tilespmem:s20+$0x180]  }
0x48: {  	v0 =	vadd.f32 v2, v0  }
0x49: {  	v2 =	vld [tilespmem:s20+$0x1C0]  }
0x4a: {  	v0 =	vadd.f32 v3, v0  }
0x4b: {  	v3 =	vld [tilespmem:s20+$0x200]  }
0x4c: {  	v0 =	vadd.f32 v1, v0  }
0x4d: {  	v1 =	vld [tilespmem:s20+$0x240]  }
0x4e: {  	v0 =	vadd.f32 v2, v0;
	_ =	sdelay $0x1  }
0x4f: {  	v0 =	vadd.f32 v3, v0;
	_ =	sdelay $0x1  }
0x50: {  	v0 =	vadd.f32 v1, v0;
	_ =	sdelay $0x1  }
0x51: {  	v0 =	vmul.f32 $5.000000070e-02, v0  }
0x52: {  	s21 =	simm.s32 $0x0  }
0x53: {  	[tilespmem:s21+$0xA280] =	vst v0  }
0x54: {  	v0 =	vld [tilespmem:s20+$0xFFFFFD90];
	_ =	sdelay $0x1  }
0x55: {  	v1 =	vld [tilespmem:s20+$0xFFFFFDD0];
	_ =	sdelay $0x1  }
0x56: {  	v2 =	vld [tilespmem:s20+$0xFFFFFE10]  }
0x57: {  	v0 =	vadd.f32 $0.0e+00, v0  }
0x58: {  	v3 =	vld [tilespmem:s20+$0xFFFFFE50]  }
0x59: {  	v0 =	vadd.f32 v1, v0  }
0x5a: {  	v1 =	vld [tilespmem:s20+$0xFFFFFE90]  }
0x5b: {  	v0 =	vadd.f32 v2, v0  }
0x5c: {  	v2 =	vld [tilespmem:s20+$0xFFFFFED0]  }
0x5d: {  	v0 =	vadd.f32 v3, v0  }
0x5e: {  	v3 =	vld [tilespmem:s20+$0xFFFFFF10]  }
0x5f: {  	v0 =	vadd.f32 v1, v0  }
0x60: {  	v1 =	vld [tilespmem:s20+$0xFFFFFF50]  }
0x61: {  	v0 =	vadd.f32 v2, v0  }
0x62: {  	v2 =	vld [tilespmem:s20+$0xFFFFFF90]  }
0x63: {  	v0 =	vadd.f32 v3, v0  }
0x64: {  	v3 =	vld [tilespmem:s20+$0xFFFFFFD0]  }
0x65: {  	v0 =	vadd.f32 v1, v0  }
0x66: {  	v1 =	vld [tilespmem:s20+$0x10]  }
0x67: {  	v0 =	vadd.f32 v2, v0  }
0x68: {  	v2 =	vld [tilespmem:s20+$0x50]  }
0x69: {  	v0 =	vadd.f32 v3, v0  }
0x6a: {  	v3 =	vld [tilespmem:s20+$0x90]  }
0x6b: {  	v0 =	vadd.f32 v1, v0  }
0x6c: {  	v1 =	vld [tilespmem:s20+$0xD0]  }
0x6d: {  	v0 =	vadd.f32 v2, v0  }
0x6e: {  	v2 =	vld [tilespmem:s20+$0x110]  }
0x6f: {  	v0 =	vadd.f32 v3, v0  }
0x70: {  	v3 =	vld [tilespmem:s20+$0x150]  }
0x71: {  	v0 =	vadd.f32 v1, v0  }
0x72: {  	v1 =	vld [tilespmem:s20+$0x190]  }
0x73: {  	v0 =	vadd.f32 v2, v0  }
0x74: {  	v2 =	vld [tilespmem:s20+$0x1D0]  }
0x75: {  	v0 =	vadd.f32 v3, v0  }
0x76: {  	v3 =	vld [tilespmem:s20+$0x210]  }
0x77: {  	v0 =	vadd.f32 v1, v0  }
0x78: {  	v1 =	vld [tilespmem:s20+$0x250]  }
0x79: {  	v0 =	vadd.f32 v2, v0;
	_ =	sdelay $0x1  }
0x7a: {  	v0 =	vadd.f32 v3, v0;
	_ =	sdelay $0x1  }
0x7b: {  	v0 =	vadd.f32 v1, v0;
	_ =	sdelay $0x1  }
0x7c: {  	v0 =	vmul.f32 $5.000000070e-02, v0;
	_ =	sdelay $0x1  }
0x7d: {  	[tilespmem:s21+$0xA290] =	vst v0  }
0x7e: {  	v0 =	vld [tilespmem:s20+$0xFFFFFDA0];
	_ =	sdelay $0x1  }
0x7f: {  	v1 =	vld [tilespmem:s20+$0xFFFFFDE0];
	_ =	sdelay $0x1  }
0x80: {  	v2 =	vld [tilespmem:s20+$0xFFFFFE20]  }
0x81: {  	v0 =	vadd.f32 $0.0e+00, v0  }
0x82: {  	v3 =	vld [tilespmem:s20+$0xFFFFFE60]  }
0x83: {  	v0 =	vadd.f32 v1, v0  }
0x84: {  	v1 =	vld [tilespmem:s20+$0xFFFFFEA0]  }
0x85: {  	v0 =	vadd.f32 v2, v0  }
0x86: {  	v2 =	vld [tilespmem:s20+$0xFFFFFEE0]  }
0x87: {  	v0 =	vadd.f32 v3, v0  }
0x88: {  	v3 =	vld [tilespmem:s20+$0xFFFFFF20]  }
0x89: {  	v0 =	vadd.f32 v1, v0  }
0x8a: {  	v1 =	vld [tilespmem:s20+$0xFFFFFF60]  }
0x8b: {  	v0 =	vadd.f32 v2, v0  }
0x8c: {  	v2 =	vld [tilespmem:s20+$0xFFFFFFA0]  }
0x8d: {  	v0 =	vadd.f32 v3, v0  }
0x8e: {  	v3 =	vld [tilespmem:s20+$0xFFFFFFE0]  }
0x8f: {  	v0 =	vadd.f32 v1, v0  }
0x90: {  	v1 =	vld [tilespmem:s20+$0x20]  }
0x91: {  	v0 =	vadd.f32 v2, v0  }
0x92: {  	v2 =	vld [tilespmem:s20+$0x60]  }
0x93: {  	v0 =	vadd.f32 v3, v0  }
0x94: {  	v3 =	vld [tilespmem:s20+$0xA0]  }
0x95: {  	v0 =	vadd.f32 v1, v0  }
0x96: {  	v1 =	vld [tilespmem:s20+$0xE0]  }
0x97: {  	v0 =	vadd.f32 v2, v0  }
0x98: {  	v2 =	vld [tilespmem:s20+$0x120]  }
0x99: {  	v0 =	vadd.f32 v3, v0  }
0x9a: {  	v3 =	vld [tilespmem:s20+$0x160]  }
0x9b: {  	v0 =	vadd.f32 v1, v0  }
0x9c: {  	v1 =	vld [tilespmem:s20+$0x1A0]  }
0x9d: {  	v0 =	vadd.f32 v2, v0  }
0x9e: {  	v2 =	vld [tilespmem:s20+$0x1E0]  }
0x9f: {  	v0 =	vadd.f32 v3, v0  }
0xa0: {  	v3 =	vld [tilespmem:s20+$0x220]  }
0xa1: {  	v0 =	vadd.f32 v1, v0  }
0xa2: {  	v1 =	vld [tilespmem:s20+$0x260]  }
0xa3: {  	v0 =	vadd.f32 v2, v0;
	_ =	sdelay $0x1  }
0xa4: {  	v0 =	vadd.f32 v3, v0;
	_ =	sdelay $0x1  }
0xa5: {  	v0 =	vadd.f32 v1, v0;
	_ =	sdelay $0x1  }
0xa6: {  	v0 =	vmul.f32 $5.000000070e-02, v0;
	_ =	sdelay $0x1  }
0xa7: {  	[tilespmem:s21+$0xA2A0] =	vst v0  }
0xa8: {  	v0 =	vld [tilespmem:s20+$0xFFFFFDB0];
	_ =	sdelay $0x1  }
0xa9: {  	v1 =	vld [tilespmem:s20+$0xFFFFFDF0];
	_ =	sdelay $0x1  }
0xaa: {  	v2 =	vld [tilespmem:s20+$0xFFFFFE30]  }
0xab: {  	v0 =	vadd.f32 $0.0e+00, v0  }
0xac: {  	v3 =	vld [tilespmem:s20+$0xFFFFFE70]  }
0xad: {  	v0 =	vadd.f32 v1, v0  }
0xae: {  	v1 =	vld [tilespmem:s20+$0xFFFFFEB0]  }
0xaf: {  	v0 =	vadd.f32 v2, v0  }
0xb0: {  	v2 =	vld [tilespmem:s20+$0xFFFFFEF0]  }
0xb1: {  	v0 =	vadd.f32 v3, v0  }
0xb2: {  	v3 =	vld [tilespmem:s20+$0xFFFFFF30]  }
0xb3: {  	v0 =	vadd.f32 v1, v0  }
0xb4: {  	v1 =	vld [tilespmem:s20+$0xFFFFFF70]  }
0xb5: {  	v0 =	vadd.f32 v2, v0  }
0xb6: {  	v2 =	vld [tilespmem:s20+$0xFFFFFFB0]  }
0xb7: {  	v0 =	vadd.f32 v3, v0  }
0xb8: {  	v3 =	vld [tilespmem:s20+$0xFFFFFFF0]  }
0xb9: {  	v0 =	vadd.f32 v1, v0  }
0xba: {  	v1 =	vld [tilespmem:s20+$0x30]  }
0xbb: {  	v0 =	vadd.f32 v2, v0  }
0xbc: {  	v2 =	vld [tilespmem:s20+$0x70]  }
0xbd: {  	v0 =	vadd.f32 v3, v0  }
0xbe: {  	v3 =	vld [tilespmem:s20+$0xB0]  }
0xbf: {  	v0 =	vadd.f32 v1, v0  }
0xc0: {  	v1 =	vld [tilespmem:s20+$0xF0]  }
0xc1: {  	v0 =	vadd.f32 v2, v0  }
0xc2: {  	v2 =	vld [tilespmem:s20+$0x130]  }
0xc3: {  	v0 =	vadd.f32 v3, v0  }
0xc4: {  	v3 =	vld [tilespmem:s20+$0x170]  }
0xc5: {  	v0 =	vadd.f32 v1, v0  }
0xc6: {  	v1 =	vld [tilespmem:s20+$0x1B0]  }
0xc7: {  	v0 =	vadd.f32 v2, v0  }
0xc8: {  	v2 =	vld [tilespmem:s20+$0x1F0]  }
0xc9: {  	v0 =	vadd.f32 v3, v0  }
0xca: {  	v3 =	vld [tilespmem:s20+$0x230]  }
0xcb: {  	v0 =	vadd.f32 v1, v0  }
0xcc: {  	v1 =	vld [tilespmem:s20+$0x270]  }
0xcd: {  	v0 =	vadd.f32 v2, v0;
	_ =	sdelay $0x1  }
0xce: {  	v0 =	vadd.f32 v3, v0;
	_ =	sdelay $0x1  }
0xcf: {  	v0 =	vadd.f32 v1, v0;
	_ =	sdelay $0x1  }
0xd0: {  	s22 =	simm.s32 $0x100;
	v0 =	vmul.f32 $5.000000070e-02, v0  }
.LBB2_2:
0xd1: {  	p0 =	sne.s32 s22, $0x1F00  }
0xd2: {  	s20 =	sadd.s32 $0x500, s20;
	[tilespmem:s21+$0xA2B0] =	vst v0;
	s21 =	smov.u32 s22;
	s22 =	sadd.s32 $0x100, s22  }
0xd3: {  	v0 =	vld [tilespmem:s20+$0xFFFFFD80];
	_ =	sdelay $0x1  }
0xd4: {  	v1 =	vld [tilespmem:s20+$0xFFFFFDC0];
	_ =	sdelay $0x1  }
0xd5: {  	v2 =	vld [tilespmem:s20+$0xFFFFFE00]  }
0xd6: {  	v0 =	vadd.f32 $0.0e+00, v0  }
0xd7: {  	v3 =	vld [tilespmem:s20+$0xFFFFFE40]  }
0xd8: {  	v0 =	vadd.f32 v1, v0  }
0xd9: {  	v1 =	vld [tilespmem:s20+$0xFFFFFE80]  }
0xda: {  	v0 =	vadd.f32 v2, v0  }
0xdb: {  	v2 =	vld [tilespmem:s20+$0xFFFFFEC0]  }
0xdc: {  	v0 =	vadd.f32 v3, v0  }
0xdd: {  	v3 =	vld [tilespmem:s20+$0xFFFFFF00]  }
0xde: {  	v0 =	vadd.f32 v1, v0  }
0xdf: {  	v1 =	vld [tilespmem:s20+$0xFFFFFF40]  }
0xe0: {  	v0 =	vadd.f32 v2, v0  }
0xe1: {  	v2 =	vld [tilespmem:s20+$0xFFFFFF80]  }
0xe2: {  	v0 =	vadd.f32 v3, v0  }
0xe3: {  	v3 =	vld [tilespmem:s20+$0xFFFFFFC0]  }
0xe4: {  	v0 =	vadd.f32 v1, v0  }
0xe5: {  	v1 =	vld [tilespmem:s20+$0x0]  }
0xe6: {  	v0 =	vadd.f32 v2, v0  }
0xe7: {  	v2 =	vld [tilespmem:s20+$0x40]  }
0xe8: {  	v0 =	vadd.f32 v3, v0  }
0xe9: {  	v3 =	vld [tilespmem:s20+$0x80]  }
0xea: {  	v0 =	vadd.f32 v1, v0  }
0xeb: {  	v1 =	vld [tilespmem:s20+$0xC0]  }
0xec: {  	v0 =	vadd.f32 v2, v0  }
0xed: {  	v2 =	vld [tilespmem:s20+$0x100]  }
0xee: {  	v0 =	vadd.f32 v3, v0  }
0xef: {  	v3 =	vld [tilespmem:s20+$0x140]  }
0xf0: {  	v0 =	vadd.f32 v1, v0  }
0xf1: {  	v1 =	vld [tilespmem:s20+$0x180]  }
0xf2: {  	v0 =	vadd.f32 v2, v0  }
0xf3: {  	v2 =	vld [tilespmem:s20+$0x1C0]  }
0xf4: {  	v0 =	vadd.f32 v3, v0  }
0xf5: {  	v3 =	vld [tilespmem:s20+$0x200]  }
0xf6: {  	v0 =	vadd.f32 v1, v0  }
0xf7: {  	v1 =	vld [tilespmem:s20+$0x240]  }
0xf8: {  	v0 =	vadd.f32 v2, v0;
	_ =	sdelay $0x1  }
0xf9: {  	v0 =	vadd.f32 v3, v0;
	_ =	sdelay $0x1  }
0xfa: {  	v0 =	vadd.f32 v1, v0;
	_ =	sdelay $0x1  }
0xfb: {  	v0 =	vmul.f32 $5.000000070e-02, v0  }
0xfc: {  	s21 =	sshra.s32 s21, $0x2  }
0xfd: {  	[tilespmem:s21+$0xA280] =	vst v0  }
0xfe: {  	v0 =	vld [tilespmem:s20+$0xFFFFFD90];
	_ =	sdelay $0x1  }
0xff: {  	v1 =	vld [tilespmem:s20+$0xFFFFFDD0];
	_ =	sdelay $0x1  }
0x100: {  	v2 =	vld [tilespmem:s20+$0xFFFFFE10]  }
0x101: {  	v0 =	vadd.f32 $0.0e+00, v0  }
0x102: {  	v3 =	vld [tilespmem:s20+$0xFFFFFE50]  }
0x103: {  	v0 =	vadd.f32 v1, v0  }
0x104: {  	v1 =	vld [tilespmem:s20+$0xFFFFFE90]  }
0x105: {  	v0 =	vadd.f32 v2, v0  }
0x106: {  	v2 =	vld [tilespmem:s20+$0xFFFFFED0]  }
0x107: {  	v0 =	vadd.f32 v3, v0  }
0x108: {  	v3 =	vld [tilespmem:s20+$0xFFFFFF10]  }
0x109: {  	v0 =	vadd.f32 v1, v0  }
0x10a: {  	v1 =	vld [tilespmem:s20+$0xFFFFFF50]  }
0x10b: {  	v0 =	vadd.f32 v2, v0  }
0x10c: {  	v2 =	vld [tilespmem:s20+$0xFFFFFF90]  }
0x10d: {  	v0 =	vadd.f32 v3, v0  }
0x10e: {  	v3 =	vld [tilespmem:s20+$0xFFFFFFD0]  }
0x10f: {  	v0 =	vadd.f32 v1, v0  }
0x110: {  	v1 =	vld [tilespmem:s20+$0x10]  }
0x111: {  	v0 =	vadd.f32 v2, v0  }
0x112: {  	v2 =	vld [tilespmem:s20+$0x50]  }
0x113: {  	v0 =	vadd.f32 v3, v0  }
0x114: {  	v3 =	vld [tilespmem:s20+$0x90]  }
0x115: {  	v0 =	vadd.f32 v1, v0  }
0x116: {  	v1 =	vld [tilespmem:s20+$0xD0]  }
0x117: {  	v0 =	vadd.f32 v2, v0  }
0x118: {  	v2 =	vld [tilespmem:s20+$0x110]  }
0x119: {  	v0 =	vadd.f32 v3, v0  }
0x11a: {  	v3 =	vld [tilespmem:s20+$0x150]  }
0x11b: {  	v0 =	vadd.f32 v1, v0  }
0x11c: {  	v1 =	vld [tilespmem:s20+$0x190]  }
0x11d: {  	v0 =	vadd.f32 v2, v0  }
0x11e: {  	v2 =	vld [tilespmem:s20+$0x1D0]  }
0x11f: {  	v0 =	vadd.f32 v3, v0  }
0x120: {  	v3 =	vld [tilespmem:s20+$0x210]  }
0x121: {  	v0 =	vadd.f32 v1, v0  }
0x122: {  	v1 =	vld [tilespmem:s20+$0x250]  }
0x123: {  	v0 =	vadd.f32 v2, v0;
	_ =	sdelay $0x1  }
0x124: {  	v0 =	vadd.f32 v3, v0;
	_ =	sdelay $0x1  }
0x125: {  	v0 =	vadd.f32 v1, v0;
	_ =	sdelay $0x1  }
0x126: {  	v0 =	vmul.f32 $5.000000070e-02, v0;
	_ =	sdelay $0x1  }
0x127: {  	[tilespmem:s21+$0xA290] =	vst v0  }
0x128: {  	v0 =	vld [tilespmem:s20+$0xFFFFFDA0];
	_ =	sdelay $0x1  }
0x129: {  	v1 =	vld [tilespmem:s20+$0xFFFFFDE0];
	_ =	sdelay $0x1  }
0x12a: {  	v2 =	vld [tilespmem:s20+$0xFFFFFE20]  }
0x12b: {  	v0 =	vadd.f32 $0.0e+00, v0  }
0x12c: {  	v3 =	vld [tilespmem:s20+$0xFFFFFE60]  }
0x12d: {  	v0 =	vadd.f32 v1, v0  }
0x12e: {  	v1 =	vld [tilespmem:s20+$0xFFFFFEA0]  }
0x12f: {  	v0 =	vadd.f32 v2, v0  }
0x130: {  	v2 =	vld [tilespmem:s20+$0xFFFFFEE0]  }
0x131: {  	v0 =	vadd.f32 v3, v0  }
0x132: {  	v3 =	vld [tilespmem:s20+$0xFFFFFF20]  }
0x133: {  	v0 =	vadd.f32 v1, v0  }
0x134: {  	v1 =	vld [tilespmem:s20+$0xFFFFFF60]  }
0x135: {  	v0 =	vadd.f32 v2, v0  }
0x136: {  	v2 =	vld [tilespmem:s20+$0xFFFFFFA0]  }
0x137: {  	v0 =	vadd.f32 v3, v0  }
0x138: {  	v3 =	vld [tilespmem:s20+$0xFFFFFFE0]  }
0x139: {  	v0 =	vadd.f32 v1, v0  }
0x13a: {  	v1 =	vld [tilespmem:s20+$0x20]  }
0x13b: {  	v0 =	vadd.f32 v2, v0  }
0x13c: {  	v2 =	vld [tilespmem:s20+$0x60]  }
0x13d: {  	v0 =	vadd.f32 v3, v0  }
0x13e: {  	v3 =	vld [tilespmem:s20+$0xA0]  }
0x13f: {  	v0 =	vadd.f32 v1, v0  }
0x140: {  	v1 =	vld [tilespmem:s20+$0xE0]  }
0x141: {  	v0 =	vadd.f32 v2, v0  }
0x142: {  	v2 =	vld [tilespmem:s20+$0x120]  }
0x143: {  	v0 =	vadd.f32 v3, v0  }
0x144: {  	v3 =	vld [tilespmem:s20+$0x160]  }
0x145: {  	v0 =	vadd.f32 v1, v0  }
0x146: {  	v1 =	vld [tilespmem:s20+$0x1A0]  }
0x147: {  	v0 =	vadd.f32 v2, v0  }
0x148: {  	v2 =	vld [tilespmem:s20+$0x1E0]  }
0x149: {  	v0 =	vadd.f32 v3, v0  }
0x14a: {  	v3 =	vld [tilespmem:s20+$0x220]  }
0x14b: {  	v0 =	vadd.f32 v1, v0  }
0x14c: {  	v1 =	vld [tilespmem:s20+$0x260]  }
0x14d: {  	v0 =	vadd.f32 v2, v0;
	_ =	sdelay $0x1  }
0x14e: {  	v0 =	vadd.f32 v3, v0;
	_ =	sdelay $0x1  }
0x14f: {  	v0 =	vadd.f32 v1, v0;
	_ =	sdelay $0x1  }
0x150: {  	v0 =	vmul.f32 $5.000000070e-02, v0;
	_ =	sdelay $0x1  }
0x151: {  	[tilespmem:s21+$0xA2A0] =	vst v0  }
0x152: {  	v0 =	vld [tilespmem:s20+$0xFFFFFDB0]  }
0x153: {  	v1 =	vld [tilespmem:s20+$0xFFFFFDF0]  }
0x154: {  	v2 =	vld [tilespmem:s20+$0xFFFFFE30]  }
0x155: {  	v3 =	vld [tilespmem:s20+$0xFFFFFE70]  }
0x156: {  	v4 =	vld [tilespmem:s20+$0xFFFFFEB0]  }
0x157: {  	v0 =	vadd.f32 $0.0e+00, v0;
	v5 =	vld [tilespmem:s20+$0xFFFFFEF0]  }
0x158: {  	v6 =	vld [tilespmem:s20+$0xFFFFFF30]  }
0x159: {  	v0 =	vadd.f32 v1, v0;
	v1 =	vld [tilespmem:s20+$0xFFFFFF70]  }
0x15a: {  	v7 =	vld [tilespmem:s20+$0xFFFFFFB0]  }
0x15b: {  	v0 =	vadd.f32 v2, v0;
	v2 =	vld [tilespmem:s20+$0xFFFFFFF0]  }
0x15c: {  	v8 =	vld [tilespmem:s20+$0x30]  }
0x15d: {  	v0 =	vadd.f32 v3, v0;
	v3 =	vld [tilespmem:s20+$0x70]  }
0x15e: {  	v9 =	vld [tilespmem:s20+$0xB0]  }
0x15f: {  	v0 =	vadd.f32 v4, v0;
	v4 =	vld [tilespmem:s20+$0xF0]  }
0x160: {  	v10 =	vld [tilespmem:s20+$0x130]  }
0x161: {  	v0 =	vadd.f32 v5, v0;
	v5 =	vld [tilespmem:s20+$0x170]  }
0x162: {  	v11 =	vld [tilespmem:s20+$0x1B0]  }
0x163: {  	v0 =	vadd.f32 v6, v0;
	v6 =	vld [tilespmem:s20+$0x1F0]  }
0x164: {  	v12 =	vld [tilespmem:s20+$0x230]  }
0x165: {  	v0 =	vadd.f32 v1, v0;
	v1 =	vld [tilespmem:s20+$0x270];
	_ =	sdelay $0x1  }
0x166: {  	v0 =	vadd.f32 v7, v0;
	_ =	sdelay $0x1  }
0x167: {  	v0 =	vadd.f32 v2, v0;
	_ =	sdelay $0x1  }
0x168: {  	v0 =	vadd.f32 v8, v0;
	_ =	sdelay $0x1  }
0x169: {  	v0 =	vadd.f32 v3, v0;
	_ =	sdelay $0x1  }
0x16a: {  	v0 =	vadd.f32 v9, v0;
	_ =	sdelay $0x1  }
0x16b: {  	v0 =	vadd.f32 v4, v0;
	_ =	sdelay $0x1  }
0x16c: {  	v0 =	vadd.f32 v10, v0;
	_ =	sdelay $0x1  }
0x16d: {  	v0 =	vadd.f32 v5, v0;
	_ =	sdelay $0x1  }
0x16e: {  	v0 =	vadd.f32 v11, v0;
	_ =	sdelay $0x1  }
0x16f: {  	v0 =	vadd.f32 v6, v0;
	_ =	sdelay $0x1  }
.Ltmp0:
0x170: {  	v0 =	vadd.f32 v12, v0;
	(pc) =	sbr.rel @p0 .LBB2_2-.Ltmp0, $3  }
0x171: {  	_ = 	snop  }
0x172: {  	v0 =	vadd.f32 v1, v0;
	_ =	sdelay $0x1  }
0x173: {  	v0 =	vmul.f32 $5.000000070e-02, v0  }
0x174: {  	s19 =	sadd.s32 $0x1, s19  }
0x175: {  	p0 =	sne.s32 s19, s6  }
.Ltmp1:
0x176: {  	[tilespmem:s21+$0xA2B0] =	vst v0;
	(pc) =	sbr.rel @p0 .LBB2_1-.Ltmp1, $4  }
0x177: {  	[hbm4b:s5+s2] =	stream.linear.scatter [tilespmem:s18], [sflag:$0x2], $0x800, $0x38;
	[tilespmem:$0xAA80] =	vst v63  }
0x178: {  	_ =	swait.ge [sflag:s7], $0x800  }
0x179: {  	[sflag:s7] =	ssyncset.done $0x0  }
0x17a: {  	[sflag:s7] =	ssyncadd.s32 $0xFFFFF800  }
0x17b: {  	_ =	sfence.sel $0x180000  }
0x17c: {  	[bflag:$0x0] =	sbarrier.arrive $0xFFFF  }
0x17d: {  	p0 =	sne.s32 s0, $0x0;
	_ =	strace $0x90000047  }
0x17e: {  	s0 =	sadd.s32 @!p0 $0x100000, s1;
	[bflag:$0x2] =	sbarrier.arrive $0xFFFF  }
0x17f: {  	[sflag:s0] =	ssyncadd.tile.s32 @!p0 $0x1;
	_ =	shalt  }
.Lfunc_end2:
_tile_overlayer_lowered:
.L_overlay_start_2:
0x180: {  	(tag) =	ssettag $0x2  }
0x181: {  	s0 =	rddreg [dreg:$0x0];
	s2 =	stileid.u32  }
0x182: {  	s1 =	rddreg [dreg:$0x1];
	p0 =	sne.s32 s2, $0x0  }
0x183: {  	s3 =	rddreg [dreg:$0x2];
	[bflag:$0x3] =	sbarrier.arrive $0xFFFF;
	s2 =	simm.s32 @!p0 $0x1C02  }
0x184: {  	[timem:s3], [sflag:s2] =	dma.local @!p0 [hbm:s0], s1  }
0x185: {  	s0 =	simm.s32 @!p0 $0x2  }
0x186: {  	_ =	swait.ge @!p0 [sflag:s0], s1  }
0x187: {  	s1 =	ssub.s32 @!p0 $0x0, s1;
	[sflag:s0] =	ssyncset.done @!p0 $0x0  }
0x188: {  	[sflag:s0] =	ssyncadd.s32 @!p0 s1  }
0x189: {  	[bflag:$0x3] =	sbarrier.arrive $0xFFFF  }
0x18a: {  	_ =	shalt  }

</sc_bundles>
